<compile_context>
chip_gen: v7x
topology: tpu7x:2x2x1
jax: 0.10.2.dev20260603
libtpu: 0.0.44.dev20260713+nightly
codegen_flags: <defaults>
</compile_context>

<pallas_src>
import functools

import jax
import jax.numpy as jnp
from jax import lax
from jax.experimental import pallas as pl
from jax.experimental.pallas import tpu as pltpu
from jax.experimental.pallas import tpu_sc as plsc

_VOCAB = 100000
_D = 64
_H = 64
_B = 1024
_LC = 200
_LQ = 20
_P = 10
_N = _B * (_LC + _LQ)

_NC = 2
_NS = 16
_NW = _NC * _NS
_ROWS_PER_WORKER = _N // _NW
_CHUNK = 88
_NCHUNKS = _ROWS_PER_WORKER // _CHUNK
_NBUF = 4


def _fixup_body(qw_ref, ph_ref, rw_ref, out_ref):
    qw = qw_ref[...]
    ph = ph_ref[...]
    repl = jnp.zeros_like(qw)
    for p in range(_P):
        col = rw_ref[:, p : p + 1]
        repl = jnp.where(ph == p, col, repl)
    out_ref[...] = jnp.where(repl > 0, repl, qw)


def _fixup(qw_idxs, qw_to_phrases, rw_idxs):
    return pl.pallas_call(
        _fixup_body,
        out_shape=jax.ShapeDtypeStruct((_B, _LQ), jnp.int32),
    )(qw_idxs, qw_to_phrases, rw_idxs)


def _transform_body(wv_ref, pw_ref, gtw_ref, gtb_ref, out_ref):
    e = lax.dot_general(
        wv_ref[...], pw_ref[...],
        dimension_numbers=(((0,), (0,)), ((), ())),
        preferred_element_type=jnp.float32)
    for i in range(2):
        gt = jnp.dot(e, gtw_ref[i], preferred_element_type=jnp.float32)
        gt = gt + gtb_ref[i : i + 1, :]
        g = jax.nn.sigmoid(gt[:, :_H])
        t = jax.nn.relu(gt[:, _H:])
        e = g * t + (1.0 - g) * e
    out_ref[...] = jnp.concatenate([e, jnp.zeros_like(e)], axis=1)


_TROWS = 4096


def _transform_table(word_vectors, proj_w, gw, gb, tw, tb):
    gtw = jnp.concatenate([gw, tw], axis=2)
    gtb = jnp.concatenate([gb, tb], axis=1)
    grid = -(-_VOCAB // _TROWS)
    full = lambda *shape: pl.BlockSpec(shape, lambda i: (0,) * len(shape))
    return pl.pallas_call(
        _transform_body,
        grid=(grid,),
        in_specs=[
            pl.BlockSpec((_D, _TROWS), lambda i: (0, i)),
            full(_D, _H),
            full(2, _H, 2 * _H),
            full(2, 2 * _H),
        ],
        out_specs=pl.BlockSpec((_TROWS, 2 * _H), lambda i: (i, 0)),
        out_shape=jax.ShapeDtypeStruct((_VOCAB, 2 * _H), jnp.float32),
    )(word_vectors.T, proj_w, gtw, gtb)


_LT = _LC + _LQ
_LPAD = 224
_GROUPS_PER_WORKER = _B // (2 * _NW)
_CHUNKS4 = (
    (0, 128, 0, 0, 128),
    (128, 96, 0, 128, 92),
    (_LPAD, 128, 1, 0, 128),
    (_LPAD + 128, 96, 1, 128, 92),
)


def _sc_gather(table, idx):
    mesh = plsc.VectorSubcoreMesh(core_axis_name="c", subcore_axis_name="s")

    @functools.partial(
        pl.kernel,
        mesh=mesh,
        out_type=jax.ShapeDtypeStruct((_B, _LT, 2 * _H), jnp.float32),
        scratch_types=(
            [pltpu.VMEM((_CHUNKS4[b % 4][1],), jnp.int32) for b in range(8)]
            + [pltpu.VMEM((_CHUNKS4[b % 4][1], 2 * _H), jnp.float32)
               for b in range(8)]
            + [pltpu.SemaphoreType.DMA for _ in range(16)]
        ),
    )
    def k(table_hbm, idx_hbm, out_hbm, *scratch):
        idx_v = scratch[:8]
        rows_v = scratch[8:16]
        gsem = scratch[16:24]
        osem = scratch[24:32]
        wid = lax.axis_index("s") * _NC + lax.axis_index("c")
        idx_base = wid * (2 * _LPAD * _GROUPS_PER_WORKER)
        batch_base = wid * (2 * _GROUPS_PER_WORKER)

        def start_gather(g, b):
            pos = b % 4
            off = idx_base + g * (2 * _LPAD) + _CHUNKS4[pos][0]
            pltpu.sync_copy(idx_hbm.at[pl.ds(off, _CHUNKS4[pos][1])], idx_v[b])
            pltpu.async_copy(table_hbm.at[idx_v[b]], rows_v[b], gsem[b])

        def wait_gather(b):
            pltpu.make_async_copy(table_hbm.at[idx_v[b]], rows_v[b],
                                  gsem[b]).wait()

        def start_out(g, b):
            _, _, db, r0, nr = _CHUNKS4[b % 4]
            dst = out_hbm.at[batch_base + 2 * g + db, pl.ds(r0, nr), :]
            pltpu.async_copy(rows_v[b].at[pl.ds(0, nr)], dst, osem[b])

        def wait_out(g, b):
            _, _, db, r0, nr = _CHUNKS4[b % 4]
            dst = out_hbm.at[batch_base + 2 * g + db, pl.ds(r0, nr), :]
            pltpu.make_async_copy(rows_v[b].at[pl.ds(0, nr)], dst,
                                  osem[b]).wait()

        for b in range(8):
            start_gather(b // 4, b)

        @pl.loop(0, _GROUPS_PER_WORKER - 2, step=2)
        def _(k):
            for par in range(2):
                g = k + par
                for pos in range(4):
                    b = par * 4 + pos
                    wait_gather(b)
                    start_out(g, b)
                for pos in range(4):
                    b = par * 4 + pos
                    wait_out(g, b)
                    start_gather(g + 2, b)

        for par in range(2):
            gl = _GROUPS_PER_WORKER - 2 + par
            for pos in range(4):
                b = par * 4 + pos
                wait_gather(b)
                start_out(gl, b)
        for par in range(2):
            gl = _GROUPS_PER_WORKER - 2 + par
            for pos in range(4):
                wait_out(gl, par * 4 + pos)

    return k(table, idx)


def kernel(cw_idxs, qw_idxs, qw_to_phrases, rw_idxs, word_vectors, proj_w,
           hwy_gate_w, hwy_gate_b, hwy_trans_w, hwy_trans_b):
    cw = cw_idxs.astype(jnp.int32)
    qw = qw_idxs.astype(jnp.int32)
    ph = qw_to_phrases.astype(jnp.int32)
    rw = rw_idxs.astype(jnp.int32)

    new_qw = _fixup(qw, ph, rw)
    table2 = _transform_table(word_vectors, proj_w, hwy_gate_w, hwy_gate_b,
                              hwy_trans_w, hwy_trans_b)
    idx = jnp.concatenate([cw, new_qw, cw[:, :_LPAD - _LT]],
                          axis=1).reshape(-1)
    out = _sc_gather(table2, idx)
    return out[:, :, :_H]

# --- scband reference (transcript-rebuilt; emitter-appended) ---
"""Pipeline reference for scband-paraphraser-50216757625091 (READ-ONLY COPY).

The authoritative reference and input builder live on the scoring server;
editing this copy changes nothing except your own understanding.
"""

import jax, jax.numpy as jnp
import numpy as np

VOCAB = 100000
D = 64
H = 64
B = 1024
LC = 200
LQ = 20
P = 10

def setup_inputs(seed: int = 0) -> dict:
    key = jax.random.key(seed)
    ks = jax.random.split(key, 12)
    cw_idxs = jax.random.randint(ks[0], (B, LC), 0, VOCAB)
    qw_idxs = jax.random.randint(ks[1], (B, LQ), 0, VOCAB)
    qw_to_phrases = jax.random.randint(ks[2], (B, LQ), 0, P)
    rw_idxs = jax.random.randint(ks[3], (B, P), 0, VOCAB)
    word_vectors = jax.random.normal(ks[4], (VOCAB, D), dtype=jnp.float32) * 0.02
    proj_w = jax.random.normal(ks[5], (D, H), dtype=jnp.float32) * (1.0 / np.sqrt(D))
    hwy_gate_w = jax.random.normal(ks[6], (2, H, H), dtype=jnp.float32) * (1.0 / np.sqrt(H))
    hwy_gate_b = jnp.zeros((2, H), dtype=jnp.float32)
    hwy_trans_w = jax.random.normal(ks[7], (2, H, H), dtype=jnp.float32) * (1.0 / np.sqrt(H))
    hwy_trans_b = jnp.zeros((2, H), dtype=jnp.float32)
    return {
        'cw_idxs': cw_idxs,
        'qw_idxs': qw_idxs,
        'qw_to_phrases': qw_to_phrases,
        'rw_idxs': rw_idxs,
        'word_vectors': word_vectors,
        'proj_w': proj_w,
        'hwy_gate_w': hwy_gate_w,
        'hwy_gate_b': hwy_gate_b,
        'hwy_trans_w': hwy_trans_w,
        'hwy_trans_b': hwy_trans_b,
    }


def _embed(idxs, word_vectors, proj_w, gate_w, gate_b, trans_w, trans_b):
    # layers.Embedding: pretrained lookup -> (dropout p=0) -> linear proj -> 2-layer highway
    e = jnp.take(word_vectors, idxs, axis=0)          # gather: [B, L, D]
    e = e @ proj_w                                    # [B, L, H]
    for i in range(2):
        g = jax.nn.sigmoid(e @ gate_w[i] + gate_b[i])
        t = jax.nn.relu(e @ trans_w[i] + trans_b[i])
        e = g * t + (1.0 - g) * e
    return e


def reference(cw_idxs, qw_idxs, qw_to_phrases, rw_idxs, word_vectors, proj_w, hwy_gate_w, hwy_gate_b, hwy_trans_w, hwy_trans_b):
    # Paraphrase: each question word maps to a phrase slot; replacement word idx for that
    # slot (per batch row) overwrites the original qw idx when nonzero.
    repl = jnp.take_along_axis(rw_idxs, qw_to_phrases, axis=1)   # [B, LQ]
    new_qw_idxs = jnp.where(repl > 0, repl, qw_idxs)
    c_emb = _embed(cw_idxs, word_vectors, proj_w, hwy_gate_w, hwy_gate_b, hwy_trans_w, hwy_trans_b)
    q_emb = _embed(new_qw_idxs, word_vectors, proj_w, hwy_gate_w, hwy_gate_b, hwy_trans_w, hwy_trans_b)
    return jnp.concatenate([c_emb, q_emb], axis=1)               # [B, LC+LQ, H]

if __name__ == "__main__":
    import jax
    _d = setup_inputs()
    print(jax.jit(kernel)(*tuple(_d.values())))

</pallas_src>

<mosaic_0001>
#map = affine_map<(d0, d1) -> (0, 0)>
#map1 = affine_map<(d0, d1) -> (0)>
#map2 = affine_map<(d0, d1) -> (0, 0, 0)>
module attributes {stable_mosaic.version = 14 : i64} {
  func.func @k(%arg0: i32, %arg1: i32, %arg2: memref<100000x128xf32, #tpu.memory_space<hbm>>, %arg3: memref<229376xi32, #tpu.memory_space<hbm>>, %arg4: memref<1024x220x128xf32, #tpu.memory_space<hbm>>, %arg5: memref<128xi32, #tpu.memory_space<vmem>>, %arg6: memref<96xi32, #tpu.memory_space<vmem>>, %arg7: memref<128xi32, #tpu.memory_space<vmem>>, %arg8: memref<96xi32, #tpu.memory_space<vmem>>, %arg9: memref<128xi32, #tpu.memory_space<vmem>>, %arg10: memref<96xi32, #tpu.memory_space<vmem>>, %arg11: memref<128xi32, #tpu.memory_space<vmem>>, %arg12: memref<96xi32, #tpu.memory_space<vmem>>, %arg13: memref<128x128xf32, #tpu.memory_space<vmem>>, %arg14: memref<96x128xf32, #tpu.memory_space<vmem>>, %arg15: memref<128x128xf32, #tpu.memory_space<vmem>>, %arg16: memref<96x128xf32, #tpu.memory_space<vmem>>, %arg17: memref<128x128xf32, #tpu.memory_space<vmem>>, %arg18: memref<96x128xf32, #tpu.memory_space<vmem>>, %arg19: memref<128x128xf32, #tpu.memory_space<vmem>>, %arg20: memref<96x128xf32, #tpu.memory_space<vmem>>, %arg21: memref<!tpu.dma_semaphore, #tpu.memory_space<semaphore_mem>>, %arg22: memref<!tpu.dma_semaphore, #tpu.memory_space<semaphore_mem>>, %arg23: memref<!tpu.dma_semaphore, #tpu.memory_space<semaphore_mem>>, %arg24: memref<!tpu.dma_semaphore, #tpu.memory_space<semaphore_mem>>, %arg25: memref<!tpu.dma_semaphore, #tpu.memory_space<semaphore_mem>>, %arg26: memref<!tpu.dma_semaphore, #tpu.memory_space<semaphore_mem>>, %arg27: memref<!tpu.dma_semaphore, #tpu.memory_space<semaphore_mem>>, %arg28: memref<!tpu.dma_semaphore, #tpu.memory_space<semaphore_mem>>, %arg29: memref<!tpu.dma_semaphore, #tpu.memory_space<semaphore_mem>>, %arg30: memref<!tpu.dma_semaphore, #tpu.memory_space<semaphore_mem>>, %arg31: memref<!tpu.dma_semaphore, #tpu.memory_space<semaphore_mem>>, %arg32: memref<!tpu.dma_semaphore, #tpu.memory_space<semaphore_mem>>, %arg33: memref<!tpu.dma_semaphore, #tpu.memory_space<semaphore_mem>>, %arg34: memref<!tpu.dma_semaphore, #tpu.memory_space<semaphore_mem>>, %arg35: memref<!tpu.dma_semaphore, #tpu.memory_space<semaphore_mem>>, %arg36: memref<!tpu.dma_semaphore, #tpu.memory_space<semaphore_mem>>) attributes {dimension_semantics = [#tpu.dimension_semantics<core_parallel>, #tpu.dimension_semantics<subcore_parallel>], iteration_bounds = array<i64: 2, 16>, scalar_prefetch = 0 : i64, scratch_operands = 32 : i64, tpu.core_type = #tpu.core_type<sc_vector_subcore>, window_params = [{transform_indices = #map}, {transform_indices = #map1}, {transform_indices = #map2}]} {
    %mul3A = arith.constant 2 : i32
    %mul3A_0 = arith.muli %arg1, %mul3A : i32
    %add3A = arith.addi %mul3A_0, %arg0 : i32
    %mul3A_1 = arith.constant 7168 : i32
    %mul3A_2 = arith.muli %add3A, %mul3A_1 : i32
    %mul3A_3 = arith.constant 32 : i32
    %mul3A_4 = arith.muli %add3A, %mul3A_3 : i32
    %add3A_5 = arith.constant 0 : i32
    %add3A_6 = arith.addi %mul3A_2, %add3A_5 : i32
    %add3A_7 = arith.constant 0 : i32
    %add3A_8 = arith.addi %add3A_6, %add3A_7 : i32
    "tpu.region"() ({
      %run_scoped3A = tpu.sem_alloc : memref<!tpu.dma_semaphore, #tpu.memory_space<semaphore_mem>>
      %dma_start3A_375 = tpu.memref_slice %arg3[%add3A_8] : memref<229376xi32, #tpu.memory_space<hbm>> -> memref<128xi32, #tpu.memory_space<hbm>>
      %dma_start3A_376 = tpu.memref_slice %arg3[%add3A_8] : memref<229376xi32, #tpu.memory_space<hbm>> -> memref<128xi32, #tpu.memory_space<hbm>>
      tpu.enqueue_dma source(%dma_start3A_376 : memref<128xi32, #tpu.memory_space<hbm>>) target(%arg5 : memref<128xi32, #tpu.memory_space<vmem>>) target_semaphore(%run_scoped3A : memref<!tpu.dma_semaphore, #tpu.memory_space<semaphore_mem>>)
      %dma_wait3A_377 = tpu.memref_slice %arg3[%add3A_8] : memref<229376xi32, #tpu.memory_space<hbm>> -> memref<128xi32, #tpu.memory_space<hbm>>
      %dma_wait3A_378 = tpu.memref_slice %arg3[%add3A_8] : memref<229376xi32, #tpu.memory_space<hbm>> -> memref<128xi32, #tpu.memory_space<hbm>>
      tpu.wait_dma2 semaphore(%run_scoped3A : memref<!tpu.dma_semaphore, #tpu.memory_space<semaphore_mem>>) src(%dma_wait3A_378 : memref<128xi32, #tpu.memory_space<hbm>>) dst(%arg5 : memref<128xi32, #tpu.memory_space<vmem>>)
      tpu.yield
    }) : () -> ()
    %dma_start3A = arith.constant 0 : i32
    %dma_start3A_9 = arith.constant 0 : i32
    %dma_start3A_10 = tpu.memref_slice %arg2[%dma_start3A, %dma_start3A_9] : memref<100000x128xf32, #tpu.memory_space<hbm>> -> memref<100000x128xf32, #tpu.memory_space<hbm>>
    tpu.enqueue_indirect_dma source(%dma_start3A_10 : memref<100000x128xf32, #tpu.memory_space<hbm>>) target(%arg13 : memref<128x128xf32, #tpu.memory_space<vmem>>) offsets(%arg5 : memref<128xi32, #tpu.memory_space<vmem>>) semaphore(%arg21 : memref<!tpu.dma_semaphore, #tpu.memory_space<semaphore_mem>>)
    %add3A_11 = arith.constant 0 : i32
    %add3A_12 = arith.addi %mul3A_2, %add3A_11 : i32
    %add3A_13 = arith.constant 128 : i32
    %add3A_14 = arith.addi %add3A_12, %add3A_13 : i32
    "tpu.region"() ({
      %run_scoped3A = tpu.sem_alloc : memref<!tpu.dma_semaphore, #tpu.memory_space<semaphore_mem>>
      %dma_start3A_375 = tpu.memref_slice %arg3[%add3A_14] : memref<229376xi32, #tpu.memory_space<hbm>> -> memref<96xi32, #tpu.memory_space<hbm>>
      %dma_start3A_376 = tpu.memref_slice %arg3[%add3A_14] : memref<229376xi32, #tpu.memory_space<hbm>> -> memref<96xi32, #tpu.memory_space<hbm>>
      tpu.enqueue_dma source(%dma_start3A_376 : memref<96xi32, #tpu.memory_space<hbm>>) target(%arg6 : memref<96xi32, #tpu.memory_space<vmem>>) target_semaphore(%run_scoped3A : memref<!tpu.dma_semaphore, #tpu.memory_space<semaphore_mem>>)
      %dma_wait3A_377 = tpu.memref_slice %arg3[%add3A_14] : memref<229376xi32, #tpu.memory_space<hbm>> -> memref<96xi32, #tpu.memory_space<hbm>>
      %dma_wait3A_378 = tpu.memref_slice %arg3[%add3A_14] : memref<229376xi32, #tpu.memory_space<hbm>> -> memref<96xi32, #tpu.memory_space<hbm>>
      tpu.wait_dma2 semaphore(%run_scoped3A : memref<!tpu.dma_semaphore, #tpu.memory_space<semaphore_mem>>) src(%dma_wait3A_378 : memref<96xi32, #tpu.memory_space<hbm>>) dst(%arg6 : memref<96xi32, #tpu.memory_space<vmem>>)
      tpu.yield
    }) : () -> ()
    %dma_start3A_15 = arith.constant 0 : i32
    %dma_start3A_16 = arith.constant 0 : i32
    %dma_start3A_17 = tpu.memref_slice %arg2[%dma_start3A_15, %dma_start3A_16] : memref<100000x128xf32, #tpu.memory_space<hbm>> -> memref<100000x128xf32, #tpu.memory_space<hbm>>
    tpu.enqueue_indirect_dma source(%dma_start3A_17 : memref<100000x128xf32, #tpu.memory_space<hbm>>) target(%arg14 : memref<96x128xf32, #tpu.memory_space<vmem>>) offsets(%arg6 : memref<96xi32, #tpu.memory_space<vmem>>) semaphore(%arg22 : memref<!tpu.dma_semaphore, #tpu.memory_space<semaphore_mem>>)
    %add3A_18 = arith.constant 0 : i32
    %add3A_19 = arith.addi %mul3A_2, %add3A_18 : i32
    %add3A_20 = arith.constant 224 : i32
    %add3A_21 = arith.addi %add3A_19, %add3A_20 : i32
    "tpu.region"() ({
      %run_scoped3A = tpu.sem_alloc : memref<!tpu.dma_semaphore, #tpu.memory_space<semaphore_mem>>
      %dma_start3A_375 = tpu.memref_slice %arg3[%add3A_21] : memref<229376xi32, #tpu.memory_space<hbm>> -> memref<128xi32, #tpu.memory_space<hbm>>
      %dma_start3A_376 = tpu.memref_slice %arg3[%add3A_21] : memref<229376xi32, #tpu.memory_space<hbm>> -> memref<128xi32, #tpu.memory_space<hbm>>
      tpu.enqueue_dma source(%dma_start3A_376 : memref<128xi32, #tpu.memory_space<hbm>>) target(%arg7 : memref<128xi32, #tpu.memory_space<vmem>>) target_semaphore(%run_scoped3A : memref<!tpu.dma_semaphore, #tpu.memory_space<semaphore_mem>>)
      %dma_wait3A_377 = tpu.memref_slice %arg3[%add3A_21] : memref<229376xi32, #tpu.memory_space<hbm>> -> memref<128xi32, #tpu.memory_space<hbm>>
      %dma_wait3A_378 = tpu.memref_slice %arg3[%add3A_21] : memref<229376xi32, #tpu.memory_space<hbm>> -> memref<128xi32, #tpu.memory_space<hbm>>
      tpu.wait_dma2 semaphore(%run_scoped3A : memref<!tpu.dma_semaphore, #tpu.memory_space<semaphore_mem>>) src(%dma_wait3A_378 : memref<128xi32, #tpu.memory_space<hbm>>) dst(%arg7 : memref<128xi32, #tpu.memory_space<vmem>>)
      tpu.yield
    }) : () -> ()
    %dma_start3A_22 = arith.constant 0 : i32
    %dma_start3A_23 = arith.constant 0 : i32
    %dma_start3A_24 = tpu.memref_slice %arg2[%dma_start3A_22, %dma_start3A_23] : memref<100000x128xf32, #tpu.memory_space<hbm>> -> memref<100000x128xf32, #tpu.memory_space<hbm>>
    tpu.enqueue_indirect_dma source(%dma_start3A_24 : memref<100000x128xf32, #tpu.memory_space<hbm>>) target(%arg15 : memref<128x128xf32, #tpu.memory_space<vmem>>) offsets(%arg7 : memref<128xi32, #tpu.memory_space<vmem>>) semaphore(%arg23 : memref<!tpu.dma_semaphore, #tpu.memory_space<semaphore_mem>>)
    %add3A_25 = arith.constant 0 : i32
    %add3A_26 = arith.addi %mul3A_2, %add3A_25 : i32
    %add3A_27 = arith.constant 352 : i32
    %add3A_28 = arith.addi %add3A_26, %add3A_27 : i32
    "tpu.region"() ({
      %run_scoped3A = tpu.sem_alloc : memref<!tpu.dma_semaphore, #tpu.memory_space<semaphore_mem>>
      %dma_start3A_375 = tpu.memref_slice %arg3[%add3A_28] : memref<229376xi32, #tpu.memory_space<hbm>> -> memref<96xi32, #tpu.memory_space<hbm>>
      %dma_start3A_376 = tpu.memref_slice %arg3[%add3A_28] : memref<229376xi32, #tpu.memory_space<hbm>> -> memref<96xi32, #tpu.memory_space<hbm>>
      tpu.enqueue_dma source(%dma_start3A_376 : memref<96xi32, #tpu.memory_space<hbm>>) target(%arg8 : memref<96xi32, #tpu.memory_space<vmem>>) target_semaphore(%run_scoped3A : memref<!tpu.dma_semaphore, #tpu.memory_space<semaphore_mem>>)
      %dma_wait3A_377 = tpu.memref_slice %arg3[%add3A_28] : memref<229376xi32, #tpu.memory_space<hbm>> -> memref<96xi32, #tpu.memory_space<hbm>>
      %dma_wait3A_378 = tpu.memref_slice %arg3[%add3A_28] : memref<229376xi32, #tpu.memory_space<hbm>> -> memref<96xi32, #tpu.memory_space<hbm>>
      tpu.wait_dma2 semaphore(%run_scoped3A : memref<!tpu.dma_semaphore, #tpu.memory_space<semaphore_mem>>) src(%dma_wait3A_378 : memref<96xi32, #tpu.memory_space<hbm>>) dst(%arg8 : memref<96xi32, #tpu.memory_space<vmem>>)
      tpu.yield
    }) : () -> ()
    %dma_start3A_29 = arith.constant 0 : i32
    %dma_start3A_30 = arith.constant 0 : i32
    %dma_start3A_31 = tpu.memref_slice %arg2[%dma_start3A_29, %dma_start3A_30] : memref<100000x128xf32, #tpu.memory_space<hbm>> -> memref<100000x128xf32, #tpu.memory_space<hbm>>
    tpu.enqueue_indirect_dma source(%dma_start3A_31 : memref<100000x128xf32, #tpu.memory_space<hbm>>) target(%arg16 : memref<96x128xf32, #tpu.memory_space<vmem>>) offsets(%arg8 : memref<96xi32, #tpu.memory_space<vmem>>) semaphore(%arg24 : memref<!tpu.dma_semaphore, #tpu.memory_space<semaphore_mem>>)
    %add3A_32 = arith.constant 448 : i32
    %add3A_33 = arith.addi %mul3A_2, %add3A_32 : i32
    %add3A_34 = arith.constant 0 : i32
    %add3A_35 = arith.addi %add3A_33, %add3A_34 : i32
    "tpu.region"() ({
      %run_scoped3A = tpu.sem_alloc : memref<!tpu.dma_semaphore, #tpu.memory_space<semaphore_mem>>
      %dma_start3A_375 = tpu.memref_slice %arg3[%add3A_35] : memref<229376xi32, #tpu.memory_space<hbm>> -> memref<128xi32, #tpu.memory_space<hbm>>
      %dma_start3A_376 = tpu.memref_slice %arg3[%add3A_35] : memref<229376xi32, #tpu.memory_space<hbm>> -> memref<128xi32, #tpu.memory_space<hbm>>
      tpu.enqueue_dma source(%dma_start3A_376 : memref<128xi32, #tpu.memory_space<hbm>>) target(%arg9 : memref<128xi32, #tpu.memory_space<vmem>>) target_semaphore(%run_scoped3A : memref<!tpu.dma_semaphore, #tpu.memory_space<semaphore_mem>>)
      %dma_wait3A_377 = tpu.memref_slice %arg3[%add3A_35] : memref<229376xi32, #tpu.memory_space<hbm>> -> memref<128xi32, #tpu.memory_space<hbm>>
      %dma_wait3A_378 = tpu.memref_slice %arg3[%add3A_35] : memref<229376xi32, #tpu.memory_space<hbm>> -> memref<128xi32, #tpu.memory_space<hbm>>
      tpu.wait_dma2 semaphore(%run_scoped3A : memref<!tpu.dma_semaphore, #tpu.memory_space<semaphore_mem>>) src(%dma_wait3A_378 : memref<128xi32, #tpu.memory_space<hbm>>) dst(%arg9 : memref<128xi32, #tpu.memory_space<vmem>>)
      tpu.yield
    }) : () -> ()
    %dma_start3A_36 = arith.constant 0 : i32
    %dma_start3A_37 = arith.constant 0 : i32
    %dma_start3A_38 = tpu.memref_slice %arg2[%dma_start3A_36, %dma_start3A_37] : memref<100000x128xf32, #tpu.memory_space<hbm>> -> memref<100000x128xf32, #tpu.memory_space<hbm>>
    tpu.enqueue_indirect_dma source(%dma_start3A_38 : memref<100000x128xf32, #tpu.memory_space<hbm>>) target(%arg17 : memref<128x128xf32, #tpu.memory_space<vmem>>) offsets(%arg9 : memref<128xi32, #tpu.memory_space<vmem>>) semaphore(%arg25 : memref<!tpu.dma_semaphore, #tpu.memory_space<semaphore_mem>>)
    %add3A_39 = arith.constant 448 : i32
    %add3A_40 = arith.addi %mul3A_2, %add3A_39 : i32
    %add3A_41 = arith.constant 128 : i32
    %add3A_42 = arith.addi %add3A_40, %add3A_41 : i32
    "tpu.region"() ({
      %run_scoped3A = tpu.sem_alloc : memref<!tpu.dma_semaphore, #tpu.memory_space<semaphore_mem>>
      %dma_start3A_375 = tpu.memref_slice %arg3[%add3A_42] : memref<229376xi32, #tpu.memory_space<hbm>> -> memref<96xi32, #tpu.memory_space<hbm>>
      %dma_start3A_376 = tpu.memref_slice %arg3[%add3A_42] : memref<229376xi32, #tpu.memory_space<hbm>> -> memref<96xi32, #tpu.memory_space<hbm>>
      tpu.enqueue_dma source(%dma_start3A_376 : memref<96xi32, #tpu.memory_space<hbm>>) target(%arg10 : memref<96xi32, #tpu.memory_space<vmem>>) target_semaphore(%run_scoped3A : memref<!tpu.dma_semaphore, #tpu.memory_space<semaphore_mem>>)
      %dma_wait3A_377 = tpu.memref_slice %arg3[%add3A_42] : memref<229376xi32, #tpu.memory_space<hbm>> -> memref<96xi32, #tpu.memory_space<hbm>>
      %dma_wait3A_378 = tpu.memref_slice %arg3[%add3A_42] : memref<229376xi32, #tpu.memory_space<hbm>> -> memref<96xi32, #tpu.memory_space<hbm>>
      tpu.wait_dma2 semaphore(%run_scoped3A : memref<!tpu.dma_semaphore, #tpu.memory_space<semaphore_mem>>) src(%dma_wait3A_378 : memref<96xi32, #tpu.memory_space<hbm>>) dst(%arg10 : memref<96xi32, #tpu.memory_space<vmem>>)
      tpu.yield
    }) : () -> ()
    %dma_start3A_43 = arith.constant 0 : i32
    %dma_start3A_44 = arith.constant 0 : i32
    %dma_start3A_45 = tpu.memref_slice %arg2[%dma_start3A_43, %dma_start3A_44] : memref<100000x128xf32, #tpu.memory_space<hbm>> -> memref<100000x128xf32, #tpu.memory_space<hbm>>
    tpu.enqueue_indirect_dma source(%dma_start3A_45 : memref<100000x128xf32, #tpu.memory_space<hbm>>) target(%arg18 : memref<96x128xf32, #tpu.memory_space<vmem>>) offsets(%arg10 : memref<96xi32, #tpu.memory_space<vmem>>) semaphore(%arg26 : memref<!tpu.dma_semaphore, #tpu.memory_space<semaphore_mem>>)
    %add3A_46 = arith.constant 448 : i32
    %add3A_47 = arith.addi %mul3A_2, %add3A_46 : i32
    %add3A_48 = arith.constant 224 : i32
    %add3A_49 = arith.addi %add3A_47, %add3A_48 : i32
    "tpu.region"() ({
      %run_scoped3A = tpu.sem_alloc : memref<!tpu.dma_semaphore, #tpu.memory_space<semaphore_mem>>
      %dma_start3A_375 = tpu.memref_slice %arg3[%add3A_49] : memref<229376xi32, #tpu.memory_space<hbm>> -> memref<128xi32, #tpu.memory_space<hbm>>
      %dma_start3A_376 = tpu.memref_slice %arg3[%add3A_49] : memref<229376xi32, #tpu.memory_space<hbm>> -> memref<128xi32, #tpu.memory_space<hbm>>
      tpu.enqueue_dma source(%dma_start3A_376 : memref<128xi32, #tpu.memory_space<hbm>>) target(%arg11 : memref<128xi32, #tpu.memory_space<vmem>>) target_semaphore(%run_scoped3A : memref<!tpu.dma_semaphore, #tpu.memory_space<semaphore_mem>>)
      %dma_wait3A_377 = tpu.memref_slice %arg3[%add3A_49] : memref<229376xi32, #tpu.memory_space<hbm>> -> memref<128xi32, #tpu.memory_space<hbm>>
      %dma_wait3A_378 = tpu.memref_slice %arg3[%add3A_49] : memref<229376xi32, #tpu.memory_space<hbm>> -> memref<128xi32, #tpu.memory_space<hbm>>
      tpu.wait_dma2 semaphore(%run_scoped3A : memref<!tpu.dma_semaphore, #tpu.memory_space<semaphore_mem>>) src(%dma_wait3A_378 : memref<128xi32, #tpu.memory_space<hbm>>) dst(%arg11 : memref<128xi32, #tpu.memory_space<vmem>>)
      tpu.yield
    }) : () -> ()
    %dma_start3A_50 = arith.constant 0 : i32
    %dma_start3A_51 = arith.constant 0 : i32
    %dma_start3A_52 = tpu.memref_slice %arg2[%dma_start3A_50, %dma_start3A_51] : memref<100000x128xf32, #tpu.memory_space<hbm>> -> memref<100000x128xf32, #tpu.memory_space<hbm>>
    tpu.enqueue_indirect_dma source(%dma_start3A_52 : memref<100000x128xf32, #tpu.memory_space<hbm>>) target(%arg19 : memref<128x128xf32, #tpu.memory_space<vmem>>) offsets(%arg11 : memref<128xi32, #tpu.memory_space<vmem>>) semaphore(%arg27 : memref<!tpu.dma_semaphore, #tpu.memory_space<semaphore_mem>>)
    %add3A_53 = arith.constant 448 : i32
    %add3A_54 = arith.addi %mul3A_2, %add3A_53 : i32
    %add3A_55 = arith.constant 352 : i32
    %add3A_56 = arith.addi %add3A_54, %add3A_55 : i32
    "tpu.region"() ({
      %run_scoped3A = tpu.sem_alloc : memref<!tpu.dma_semaphore, #tpu.memory_space<semaphore_mem>>
      %dma_start3A_375 = tpu.memref_slice %arg3[%add3A_56] : memref<229376xi32, #tpu.memory_space<hbm>> -> memref<96xi32, #tpu.memory_space<hbm>>
      %dma_start3A_376 = tpu.memref_slice %arg3[%add3A_56] : memref<229376xi32, #tpu.memory_space<hbm>> -> memref<96xi32, #tpu.memory_space<hbm>>
      tpu.enqueue_dma source(%dma_start3A_376 : memref<96xi32, #tpu.memory_space<hbm>>) target(%arg12 : memref<96xi32, #tpu.memory_space<vmem>>) target_semaphore(%run_scoped3A : memref<!tpu.dma_semaphore, #tpu.memory_space<semaphore_mem>>)
      %dma_wait3A_377 = tpu.memref_slice %arg3[%add3A_56] : memref<229376xi32, #tpu.memory_space<hbm>> -> memref<96xi32, #tpu.memory_space<hbm>>
      %dma_wait3A_378 = tpu.memref_slice %arg3[%add3A_56] : memref<229376xi32, #tpu.memory_space<hbm>> -> memref<96xi32, #tpu.memory_space<hbm>>
      tpu.wait_dma2 semaphore(%run_scoped3A : memref<!tpu.dma_semaphore, #tpu.memory_space<semaphore_mem>>) src(%dma_wait3A_378 : memref<96xi32, #tpu.memory_space<hbm>>) dst(%arg12 : memref<96xi32, #tpu.memory_space<vmem>>)
      tpu.yield
    }) : () -> ()
    %dma_start3A_57 = arith.constant 0 : i32
    %dma_start3A_58 = arith.constant 0 : i32
    %dma_start3A_59 = tpu.memref_slice %arg2[%dma_start3A_57, %dma_start3A_58] : memref<100000x128xf32, #tpu.memory_space<hbm>> -> memref<100000x128xf32, #tpu.memory_space<hbm>>
    tpu.enqueue_indirect_dma source(%dma_start3A_59 : memref<100000x128xf32, #tpu.memory_space<hbm>>) target(%arg20 : memref<96x128xf32, #tpu.memory_space<vmem>>) offsets(%arg12 : memref<96xi32, #tpu.memory_space<vmem>>) semaphore(%arg28 : memref<!tpu.dma_semaphore, #tpu.memory_space<semaphore_mem>>)
    %scan3A = arith.constant 0 : i32
    %scan3A_60 = arith.constant 7 : i32
    %scan3A_61 = arith.addi %scan3A, %scan3A_60 : i32
    %scan3A_62 = arith.constant 1 : i32
    scf.for %scan3A_375 = %scan3A to %scan3A_61 step %scan3A_62  : i32 {
      %mul3A_376 = arith.constant 2 : i32
      %mul3A_377 = arith.muli %scan3A_375, %mul3A_376 : i32
      %add3A_378 = arith.constant 0 : i32
      %add3A_379 = arith.addi %add3A_378, %mul3A_377 : i32
      %add3A_380 = arith.constant 0 : i32
      %add3A_381 = arith.addi %add3A_379, %add3A_380 : i32
      %dma_wait3A_382 = arith.constant 0 : i32
      %dma_wait3A_383 = arith.constant 0 : i32
      %dma_wait3A_384 = tpu.memref_slice %arg2[%dma_wait3A_382, %dma_wait3A_383] : memref<100000x128xf32, #tpu.memory_space<hbm>> -> memref<100000x128xf32, #tpu.memory_space<hbm>>
      tpu.wait_indirect_dma semaphore(%arg21 : memref<!tpu.dma_semaphore, #tpu.memory_space<semaphore_mem>>) src(%dma_wait3A_384 : memref<100000x128xf32, #tpu.memory_space<hbm>>) dst(%arg13 : memref<128x128xf32, #tpu.memory_space<vmem>>)
      %mul3A_385 = arith.constant 2 : i32
      %mul3A_386 = arith.muli %mul3A_385, %add3A_381 : i32
      %add3A_387 = arith.addi %mul3A_4, %mul3A_386 : i32
      %add3A_388 = arith.constant 0 : i32
      %add3A_389 = arith.addi %add3A_387, %add3A_388 : i32
      %dma_start3A_390 = arith.constant 0 : i32
      %dma_start3A_391 = arith.constant 0 : i32
      %dma_start3A_392 = tpu.memref_slice %arg13[%dma_start3A_390, %dma_start3A_391] : memref<128x128xf32, #tpu.memory_space<vmem>> -> memref<128x128xf32, #tpu.memory_space<vmem>>
      %dma_start3A_393 = arith.constant 0 : i32
      %dma_start3A_394 = arith.constant 0 : i32
      %dma_start3A_395 = tpu.memref_slice %arg4[%add3A_389, %dma_start3A_393, %dma_start3A_394] : memref<1024x220x128xf32, #tpu.memory_space<hbm>> -> memref<1x128x128xf32, #tpu.memory_space<hbm>>
      %dma_start3A_396 = tpu.memref_squeeze %dma_start3A_395 : memref<1x128x128xf32, #tpu.memory_space<hbm>> -> memref<128x128xf32, #tpu.memory_space<hbm>>
      %dma_start3A_397 = arith.constant 0 : i32
      %dma_start3A_398 = arith.constant 0 : i32
      %dma_start3A_399 = tpu.memref_slice %arg4[%add3A_389, %dma_start3A_397, %dma_start3A_398] : memref<1024x220x128xf32, #tpu.memory_space<hbm>> -> memref<1x128x128xf32, #tpu.memory_space<hbm>>
      %dma_start3A_400 = tpu.memref_squeeze %dma_start3A_399 : memref<1x128x128xf32, #tpu.memory_space<hbm>> -> memref<128x128xf32, #tpu.memory_space<hbm>>
      %dma_start3A_401 = arith.constant 0 : i32
      %dma_start3A_402 = arith.constant 0 : i32
      %dma_start3A_403 = tpu.memref_slice %arg13[%dma_start3A_401, %dma_start3A_402] : memref<128x128xf32, #tpu.memory_space<vmem>> -> memref<128x128xf32, #tpu.memory_space<vmem>>
      tpu.enqueue_dma source(%dma_start3A_403 : memref<128x128xf32, #tpu.memory_space<vmem>>) target(%dma_start3A_400 : memref<128x128xf32, #tpu.memory_space<hbm>>) target_semaphore(%arg29 : memref<!tpu.dma_semaphore, #tpu.memory_space<semaphore_mem>>)
      %dma_wait3A_404 = arith.constant 0 : i32
      %dma_wait3A_405 = arith.constant 0 : i32
      %dma_wait3A_406 = tpu.memref_slice %arg2[%dma_wait3A_404, %dma_wait3A_405] : memref<100000x128xf32, #tpu.memory_space<hbm>> -> memref<100000x128xf32, #tpu.memory_space<hbm>>
      tpu.wait_indirect_dma semaphore(%arg22 : memref<!tpu.dma_semaphore, #tpu.memory_space<semaphore_mem>>) src(%dma_wait3A_406 : memref<100000x128xf32, #tpu.memory_space<hbm>>) dst(%arg14 : memref<96x128xf32, #tpu.memory_space<vmem>>)
      %mul3A_407 = arith.constant 2 : i32
      %mul3A_408 = arith.muli %mul3A_407, %add3A_381 : i32
      %add3A_409 = arith.addi %mul3A_4, %mul3A_408 : i32
      %add3A_410 = arith.constant 0 : i32
      %add3A_411 = arith.addi %add3A_409, %add3A_410 : i32
      %dma_start3A_412 = arith.constant 0 : i32
      %dma_start3A_413 = arith.constant 0 : i32
      %dma_start3A_414 = tpu.memref_slice %arg14[%dma_start3A_412, %dma_start3A_413] : memref<96x128xf32, #tpu.memory_space<vmem>> -> memref<92x128xf32, #tpu.memory_space<vmem>>
      %dma_start3A_415 = arith.constant 128 : i32
      %dma_start3A_416 = arith.constant 0 : i32
      %dma_start3A_417 = tpu.memref_slice %arg4[%add3A_411, %dma_start3A_415, %dma_start3A_416] : memref<1024x220x128xf32, #tpu.memory_space<hbm>> -> memref<1x92x128xf32, #tpu.memory_space<hbm>>
      %dma_start3A_418 = tpu.memref_squeeze %dma_start3A_417 : memref<1x92x128xf32, #tpu.memory_space<hbm>> -> memref<92x128xf32, #tpu.memory_space<hbm>>
      %dma_start3A_419 = arith.constant 128 : i32
      %dma_start3A_420 = arith.constant 0 : i32
      %dma_start3A_421 = tpu.memref_slice %arg4[%add3A_411, %dma_start3A_419, %dma_start3A_420] : memref<1024x220x128xf32, #tpu.memory_space<hbm>> -> memref<1x92x128xf32, #tpu.memory_space<hbm>>
      %dma_start3A_422 = tpu.memref_squeeze %dma_start3A_421 : memref<1x92x128xf32, #tpu.memory_space<hbm>> -> memref<92x128xf32, #tpu.memory_space<hbm>>
      %dma_start3A_423 = arith.constant 0 : i32
      %dma_start3A_424 = arith.constant 0 : i32
      %dma_start3A_425 = tpu.memref_slice %arg14[%dma_start3A_423, %dma_start3A_424] : memref<96x128xf32, #tpu.memory_space<vmem>> -> memref<92x128xf32, #tpu.memory_space<vmem>>
      tpu.enqueue_dma source(%dma_start3A_425 : memref<92x128xf32, #tpu.memory_space<vmem>>) target(%dma_start3A_422 : memref<92x128xf32, #tpu.memory_space<hbm>>) target_semaphore(%arg30 : memref<!tpu.dma_semaphore, #tpu.memory_space<semaphore_mem>>)
      %dma_wait3A_426 = arith.constant 0 : i32
      %dma_wait3A_427 = arith.constant 0 : i32
      %dma_wait3A_428 = tpu.memref_slice %arg2[%dma_wait3A_426, %dma_wait3A_427] : memref<100000x128xf32, #tpu.memory_space<hbm>> -> memref<100000x128xf32, #tpu.memory_space<hbm>>
      tpu.wait_indirect_dma semaphore(%arg23 : memref<!tpu.dma_semaphore, #tpu.memory_space<semaphore_mem>>) src(%dma_wait3A_428 : memref<100000x128xf32, #tpu.memory_space<hbm>>) dst(%arg15 : memref<128x128xf32, #tpu.memory_space<vmem>>)
      %mul3A_429 = arith.constant 2 : i32
      %mul3A_430 = arith.muli %mul3A_429, %add3A_381 : i32
      %add3A_431 = arith.addi %mul3A_4, %mul3A_430 : i32
      %add3A_432 = arith.constant 1 : i32
      %add3A_433 = arith.addi %add3A_431, %add3A_432 : i32
      %dma_start3A_434 = arith.constant 0 : i32
      %dma_start3A_435 = arith.constant 0 : i32
      %dma_start3A_436 = tpu.memref_slice %arg15[%dma_start3A_434, %dma_start3A_435] : memref<128x128xf32, #tpu.memory_space<vmem>> -> memref<128x128xf32, #tpu.memory_space<vmem>>
      %dma_start3A_437 = arith.constant 0 : i32
      %dma_start3A_438 = arith.constant 0 : i32
      %dma_start3A_439 = tpu.memref_slice %arg4[%add3A_433, %dma_start3A_437, %dma_start3A_438] : memref<1024x220x128xf32, #tpu.memory_space<hbm>> -> memref<1x128x128xf32, #tpu.memory_space<hbm>>
      %dma_start3A_440 = tpu.memref_squeeze %dma_start3A_439 : memref<1x128x128xf32, #tpu.memory_space<hbm>> -> memref<128x128xf32, #tpu.memory_space<hbm>>
      %dma_start3A_441 = arith.constant 0 : i32
      %dma_start3A_442 = arith.constant 0 : i32
      %dma_start3A_443 = tpu.memref_slice %arg4[%add3A_433, %dma_start3A_441, %dma_start3A_442] : memref<1024x220x128xf32, #tpu.memory_space<hbm>> -> memref<1x128x128xf32, #tpu.memory_space<hbm>>
      %dma_start3A_444 = tpu.memref_squeeze %dma_start3A_443 : memref<1x128x128xf32, #tpu.memory_space<hbm>> -> memref<128x128xf32, #tpu.memory_space<hbm>>
      %dma_start3A_445 = arith.constant 0 : i32
      %dma_start3A_446 = arith.constant 0 : i32
      %dma_start3A_447 = tpu.memref_slice %arg15[%dma_start3A_445, %dma_start3A_446] : memref<128x128xf32, #tpu.memory_space<vmem>> -> memref<128x128xf32, #tpu.memory_space<vmem>>
      tpu.enqueue_dma source(%dma_start3A_447 : memref<128x128xf32, #tpu.memory_space<vmem>>) target(%dma_start3A_444 : memref<128x128xf32, #tpu.memory_space<hbm>>) target_semaphore(%arg31 : memref<!tpu.dma_semaphore, #tpu.memory_space<semaphore_mem>>)
      %dma_wait3A_448 = arith.constant 0 : i32
      %dma_wait3A_449 = arith.constant 0 : i32
      %dma_wait3A_450 = tpu.memref_slice %arg2[%dma_wait3A_448, %dma_wait3A_449] : memref<100000x128xf32, #tpu.memory_space<hbm>> -> memref<100000x128xf32, #tpu.memory_space<hbm>>
      tpu.wait_indirect_dma semaphore(%arg24 : memref<!tpu.dma_semaphore, #tpu.memory_space<semaphore_mem>>) src(%dma_wait3A_450 : memref<100000x128xf32, #tpu.memory_space<hbm>>) dst(%arg16 : memref<96x128xf32, #tpu.memory_space<vmem>>)
      %mul3A_451 = arith.constant 2 : i32
      %mul3A_452 = arith.muli %mul3A_451, %add3A_381 : i32
      %add3A_453 = arith.addi %mul3A_4, %mul3A_452 : i32
      %add3A_454 = arith.constant 1 : i32
      %add3A_455 = arith.addi %add3A_453, %add3A_454 : i32
      %dma_start3A_456 = arith.constant 0 : i32
      %dma_start3A_457 = arith.constant 0 : i32
      %dma_start3A_458 = tpu.memref_slice %arg16[%dma_start3A_456, %dma_start3A_457] : memref<96x128xf32, #tpu.memory_space<vmem>> -> memref<92x128xf32, #tpu.memory_space<vmem>>
      %dma_start3A_459 = arith.constant 128 : i32
      %dma_start3A_460 = arith.constant 0 : i32
      %dma_start3A_461 = tpu.memref_slice %arg4[%add3A_455, %dma_start3A_459, %dma_start3A_460] : memref<1024x220x128xf32, #tpu.memory_space<hbm>> -> memref<1x92x128xf32, #tpu.memory_space<hbm>>
      %dma_start3A_462 = tpu.memref_squeeze %dma_start3A_461 : memref<1x92x128xf32, #tpu.memory_space<hbm>> -> memref<92x128xf32, #tpu.memory_space<hbm>>
      %dma_start3A_463 = arith.constant 128 : i32
      %dma_start3A_464 = arith.constant 0 : i32
      %dma_start3A_465 = tpu.memref_slice %arg4[%add3A_455, %dma_start3A_463, %dma_start3A_464] : memref<1024x220x128xf32, #tpu.memory_space<hbm>> -> memref<1x92x128xf32, #tpu.memory_space<hbm>>
      %dma_start3A_466 = tpu.memref_squeeze %dma_start3A_465 : memref<1x92x128xf32, #tpu.memory_space<hbm>> -> memref<92x128xf32, #tpu.memory_space<hbm>>
      %dma_start3A_467 = arith.constant 0 : i32
      %dma_start3A_468 = arith.constant 0 : i32
      %dma_start3A_469 = tpu.memref_slice %arg16[%dma_start3A_467, %dma_start3A_468] : memref<96x128xf32, #tpu.memory_space<vmem>> -> memref<92x128xf32, #tpu.memory_space<vmem>>
      tpu.enqueue_dma source(%dma_start3A_469 : memref<92x128xf32, #tpu.memory_space<vmem>>) target(%dma_start3A_466 : memref<92x128xf32, #tpu.memory_space<hbm>>) target_semaphore(%arg32 : memref<!tpu.dma_semaphore, #tpu.memory_space<semaphore_mem>>)
      %mul3A_470 = arith.constant 2 : i32
      %mul3A_471 = arith.muli %mul3A_470, %add3A_381 : i32
      %add3A_472 = arith.addi %mul3A_4, %mul3A_471 : i32
      %add3A_473 = arith.constant 0 : i32
      %add3A_474 = arith.addi %add3A_472, %add3A_473 : i32
      %dma_wait3A_475 = arith.constant 0 : i32
      %dma_wait3A_476 = arith.constant 0 : i32
      %dma_wait3A_477 = tpu.memref_slice %arg13[%dma_wait3A_475, %dma_wait3A_476] : memref<128x128xf32, #tpu.memory_space<vmem>> -> memref<128x128xf32, #tpu.memory_space<vmem>>
      %dma_wait3A_478 = arith.constant 0 : i32
      %dma_wait3A_479 = arith.constant 0 : i32
      %dma_wait3A_480 = tpu.memref_slice %arg4[%add3A_474, %dma_wait3A_478, %dma_wait3A_479] : memref<1024x220x128xf32, #tpu.memory_space<hbm>> -> memref<1x128x128xf32, #tpu.memory_space<hbm>>
      %dma_wait3A_481 = tpu.memref_squeeze %dma_wait3A_480 : memref<1x128x128xf32, #tpu.memory_space<hbm>> -> memref<128x128xf32, #tpu.memory_space<hbm>>
      %dma_wait3A_482 = arith.constant 0 : i32
      %dma_wait3A_483 = arith.constant 0 : i32
      %dma_wait3A_484 = tpu.memref_slice %arg4[%add3A_474, %dma_wait3A_482, %dma_wait3A_483] : memref<1024x220x128xf32, #tpu.memory_space<hbm>> -> memref<1x128x128xf32, #tpu.memory_space<hbm>>
      %dma_wait3A_485 = tpu.memref_squeeze %dma_wait3A_484 : memref<1x128x128xf32, #tpu.memory_space<hbm>> -> memref<128x128xf32, #tpu.memory_space<hbm>>
      %dma_wait3A_486 = arith.constant 0 : i32
      %dma_wait3A_487 = arith.constant 0 : i32
      %dma_wait3A_488 = tpu.memref_slice %arg13[%dma_wait3A_486, %dma_wait3A_487] : memref<128x128xf32, #tpu.memory_space<vmem>> -> memref<128x128xf32, #tpu.memory_space<vmem>>
      tpu.wait_dma2 semaphore(%arg29 : memref<!tpu.dma_semaphore, #tpu.memory_space<semaphore_mem>>) src(%dma_wait3A_488 : memref<128x128xf32, #tpu.memory_space<vmem>>) dst(%dma_wait3A_485 : memref<128x128xf32, #tpu.memory_space<hbm>>)
      %add3A_489 = arith.constant 2 : i32
      %add3A_490 = arith.addi %add3A_381, %add3A_489 : i32
      %mul3A_491 = arith.constant 448 : i32
      %mul3A_492 = arith.muli %add3A_490, %mul3A_491 : i32
      %add3A_493 = arith.addi %mul3A_2, %mul3A_492 : i32
      %add3A_494 = arith.constant 0 : i32
      %add3A_495 = arith.addi %add3A_493, %add3A_494 : i32
      "tpu.region"() ({
        %run_scoped3A = tpu.sem_alloc : memref<!tpu.dma_semaphore, #tpu.memory_space<semaphore_mem>>
        %dma_start3A_792 = tpu.memref_slice %arg3[%add3A_495] : memref<229376xi32, #tpu.memory_space<hbm>> -> memref<128xi32, #tpu.memory_space<hbm>>
        %dma_start3A_793 = tpu.memref_slice %arg3[%add3A_495] : memref<229376xi32, #tpu.memory_space<hbm>> -> memref<128xi32, #tpu.memory_space<hbm>>
        tpu.enqueue_dma source(%dma_start3A_793 : memref<128xi32, #tpu.memory_space<hbm>>) target(%arg5 : memref<128xi32, #tpu.memory_space<vmem>>) target_semaphore(%run_scoped3A : memref<!tpu.dma_semaphore, #tpu.memory_space<semaphore_mem>>)
        %dma_wait3A_794 = tpu.memref_slice %arg3[%add3A_495] : memref<229376xi32, #tpu.memory_space<hbm>> -> memref<128xi32, #tpu.memory_space<hbm>>
        %dma_wait3A_795 = tpu.memref_slice %arg3[%add3A_495] : memref<229376xi32, #tpu.memory_space<hbm>> -> memref<128xi32, #tpu.memory_space<hbm>>
        tpu.wait_dma2 semaphore(%run_scoped3A : memref<!tpu.dma_semaphore, #tpu.memory_space<semaphore_mem>>) src(%dma_wait3A_795 : memref<128xi32, #tpu.memory_space<hbm>>) dst(%arg5 : memref<128xi32, #tpu.memory_space<vmem>>)
        tpu.yield
      }) : () -> ()
      %dma_start3A_496 = arith.constant 0 : i32
      %dma_start3A_497 = arith.constant 0 : i32
      %dma_start3A_498 = tpu.memref_slice %arg2[%dma_start3A_496, %dma_start3A_497] : memref<100000x128xf32, #tpu.memory_space<hbm>> -> memref<100000x128xf32, #tpu.memory_space<hbm>>
      tpu.enqueue_indirect_dma source(%dma_start3A_498 : memref<100000x128xf32, #tpu.memory_space<hbm>>) target(%arg13 : memref<128x128xf32, #tpu.memory_space<vmem>>) offsets(%arg5 : memref<128xi32, #tpu.memory_space<vmem>>) semaphore(%arg21 : memref<!tpu.dma_semaphore, #tpu.memory_space<semaphore_mem>>)
      %mul3A_499 = arith.constant 2 : i32
      %mul3A_500 = arith.muli %mul3A_499, %add3A_381 : i32
      %add3A_501 = arith.addi %mul3A_4, %mul3A_500 : i32
      %add3A_502 = arith.constant 0 : i32
      %add3A_503 = arith.addi %add3A_501, %add3A_502 : i32
      %dma_wait3A_504 = arith.constant 0 : i32
      %dma_wait3A_505 = arith.constant 0 : i32
      %dma_wait3A_506 = tpu.memref_slice %arg14[%dma_wait3A_504, %dma_wait3A_505] : memref<96x128xf32, #tpu.memory_space<vmem>> -> memref<92x128xf32, #tpu.memory_space<vmem>>
      %dma_wait3A_507 = arith.constant 128 : i32
      %dma_wait3A_508 = arith.constant 0 : i32
      %dma_wait3A_509 = tpu.memref_slice %arg4[%add3A_503, %dma_wait3A_507, %dma_wait3A_508] : memref<1024x220x128xf32, #tpu.memory_space<hbm>> -> memref<1x92x128xf32, #tpu.memory_space<hbm>>
      %dma_wait3A_510 = tpu.memref_squeeze %dma_wait3A_509 : memref<1x92x128xf32, #tpu.memory_space<hbm>> -> memref<92x128xf32, #tpu.memory_space<hbm>>
      %dma_wait3A_511 = arith.constant 128 : i32
      %dma_wait3A_512 = arith.constant 0 : i32
      %dma_wait3A_513 = tpu.memref_slice %arg4[%add3A_503, %dma_wait3A_511, %dma_wait3A_512] : memref<1024x220x128xf32, #tpu.memory_space<hbm>> -> memref<1x92x128xf32, #tpu.memory_space<hbm>>
      %dma_wait3A_514 = tpu.memref_squeeze %dma_wait3A_513 : memref<1x92x128xf32, #tpu.memory_space<hbm>> -> memref<92x128xf32, #tpu.memory_space<hbm>>
      %dma_wait3A_515 = arith.constant 0 : i32
      %dma_wait3A_516 = arith.constant 0 : i32
      %dma_wait3A_517 = tpu.memref_slice %arg14[%dma_wait3A_515, %dma_wait3A_516] : memref<96x128xf32, #tpu.memory_space<vmem>> -> memref<92x128xf32, #tpu.memory_space<vmem>>
      tpu.wait_dma2 semaphore(%arg30 : memref<!tpu.dma_semaphore, #tpu.memory_space<semaphore_mem>>) src(%dma_wait3A_517 : memref<92x128xf32, #tpu.memory_space<vmem>>) dst(%dma_wait3A_514 : memref<92x128xf32, #tpu.memory_space<hbm>>)
      %add3A_518 = arith.constant 2 : i32
      %add3A_519 = arith.addi %add3A_381, %add3A_518 : i32
      %mul3A_520 = arith.constant 448 : i32
      %mul3A_521 = arith.muli %add3A_519, %mul3A_520 : i32
      %add3A_522 = arith.addi %mul3A_2, %mul3A_521 : i32
      %add3A_523 = arith.constant 128 : i32
      %add3A_524 = arith.addi %add3A_522, %add3A_523 : i32
      "tpu.region"() ({
        %run_scoped3A = tpu.sem_alloc : memref<!tpu.dma_semaphore, #tpu.memory_space<semaphore_mem>>
        %dma_start3A_792 = tpu.memref_slice %arg3[%add3A_524] : memref<229376xi32, #tpu.memory_space<hbm>> -> memref<96xi32, #tpu.memory_space<hbm>>
        %dma_start3A_793 = tpu.memref_slice %arg3[%add3A_524] : memref<229376xi32, #tpu.memory_space<hbm>> -> memref<96xi32, #tpu.memory_space<hbm>>
        tpu.enqueue_dma source(%dma_start3A_793 : memref<96xi32, #tpu.memory_space<hbm>>) target(%arg6 : memref<96xi32, #tpu.memory_space<vmem>>) target_semaphore(%run_scoped3A : memref<!tpu.dma_semaphore, #tpu.memory_space<semaphore_mem>>)
        %dma_wait3A_794 = tpu.memref_slice %arg3[%add3A_524] : memref<229376xi32, #tpu.memory_space<hbm>> -> memref<96xi32, #tpu.memory_space<hbm>>
        %dma_wait3A_795 = tpu.memref_slice %arg3[%add3A_524] : memref<229376xi32, #tpu.memory_space<hbm>> -> memref<96xi32, #tpu.memory_space<hbm>>
        tpu.wait_dma2 semaphore(%run_scoped3A : memref<!tpu.dma_semaphore, #tpu.memory_space<semaphore_mem>>) src(%dma_wait3A_795 : memref<96xi32, #tpu.memory_space<hbm>>) dst(%arg6 : memref<96xi32, #tpu.memory_space<vmem>>)
        tpu.yield
      }) : () -> ()
      %dma_start3A_525 = arith.constant 0 : i32
      %dma_start3A_526 = arith.constant 0 : i32
      %dma_start3A_527 = tpu.memref_slice %arg2[%dma_start3A_525, %dma_start3A_526] : memref<100000x128xf32, #tpu.memory_space<hbm>> -> memref<100000x128xf32, #tpu.memory_space<hbm>>
      tpu.enqueue_indirect_dma source(%dma_start3A_527 : memref<100000x128xf32, #tpu.memory_space<hbm>>) target(%arg14 : memref<96x128xf32, #tpu.memory_space<vmem>>) offsets(%arg6 : memref<96xi32, #tpu.memory_space<vmem>>) semaphore(%arg22 : memref<!tpu.dma_semaphore, #tpu.memory_space<semaphore_mem>>)
      %mul3A_528 = arith.constant 2 : i32
      %mul3A_529 = arith.muli %mul3A_528, %add3A_381 : i32
      %add3A_530 = arith.addi %mul3A_4, %mul3A_529 : i32
      %add3A_531 = arith.constant 1 : i32
      %add3A_532 = arith.addi %add3A_530, %add3A_531 : i32
      %dma_wait3A_533 = arith.constant 0 : i32
      %dma_wait3A_534 = arith.constant 0 : i32
      %dma_wait3A_535 = tpu.memref_slice %arg15[%dma_wait3A_533, %dma_wait3A_534] : memref<128x128xf32, #tpu.memory_space<vmem>> -> memref<128x128xf32, #tpu.memory_space<vmem>>
      %dma_wait3A_536 = arith.constant 0 : i32
      %dma_wait3A_537 = arith.constant 0 : i32
      %dma_wait3A_538 = tpu.memref_slice %arg4[%add3A_532, %dma_wait3A_536, %dma_wait3A_537] : memref<1024x220x128xf32, #tpu.memory_space<hbm>> -> memref<1x128x128xf32, #tpu.memory_space<hbm>>
      %dma_wait3A_539 = tpu.memref_squeeze %dma_wait3A_538 : memref<1x128x128xf32, #tpu.memory_space<hbm>> -> memref<128x128xf32, #tpu.memory_space<hbm>>
      %dma_wait3A_540 = arith.constant 0 : i32
      %dma_wait3A_541 = arith.constant 0 : i32
      %dma_wait3A_542 = tpu.memref_slice %arg4[%add3A_532, %dma_wait3A_540, %dma_wait3A_541] : memref<1024x220x128xf32, #tpu.memory_space<hbm>> -> memref<1x128x128xf32, #tpu.memory_space<hbm>>
      %dma_wait3A_543 = tpu.memref_squeeze %dma_wait3A_542 : memref<1x128x128xf32, #tpu.memory_space<hbm>> -> memref<128x128xf32, #tpu.memory_space<hbm>>
      %dma_wait3A_544 = arith.constant 0 : i32
      %dma_wait3A_545 = arith.constant 0 : i32
      %dma_wait3A_546 = tpu.memref_slice %arg15[%dma_wait3A_544, %dma_wait3A_545] : memref<128x128xf32, #tpu.memory_space<vmem>> -> memref<128x128xf32, #tpu.memory_space<vmem>>
      tpu.wait_dma2 semaphore(%arg31 : memref<!tpu.dma_semaphore, #tpu.memory_space<semaphore_mem>>) src(%dma_wait3A_546 : memref<128x128xf32, #tpu.memory_space<vmem>>) dst(%dma_wait3A_543 : memref<128x128xf32, #tpu.memory_space<hbm>>)
      %add3A_547 = arith.constant 2 : i32
      %add3A_548 = arith.addi %add3A_381, %add3A_547 : i32
      %mul3A_549 = arith.constant 448 : i32
      %mul3A_550 = arith.muli %add3A_548, %mul3A_549 : i32
      %add3A_551 = arith.addi %mul3A_2, %mul3A_550 : i32
      %add3A_552 = arith.constant 224 : i32
      %add3A_553 = arith.addi %add3A_551, %add3A_552 : i32
      "tpu.region"() ({
        %run_scoped3A = tpu.sem_alloc : memref<!tpu.dma_semaphore, #tpu.memory_space<semaphore_mem>>
        %dma_start3A_792 = tpu.memref_slice %arg3[%add3A_553] : memref<229376xi32, #tpu.memory_space<hbm>> -> memref<128xi32, #tpu.memory_space<hbm>>
        %dma_start3A_793 = tpu.memref_slice %arg3[%add3A_553] : memref<229376xi32, #tpu.memory_space<hbm>> -> memref<128xi32, #tpu.memory_space<hbm>>
        tpu.enqueue_dma source(%dma_start3A_793 : memref<128xi32, #tpu.memory_space<hbm>>) target(%arg7 : memref<128xi32, #tpu.memory_space<vmem>>) target_semaphore(%run_scoped3A : memref<!tpu.dma_semaphore, #tpu.memory_space<semaphore_mem>>)
        %dma_wait3A_794 = tpu.memref_slice %arg3[%add3A_553] : memref<229376xi32, #tpu.memory_space<hbm>> -> memref<128xi32, #tpu.memory_space<hbm>>
        %dma_wait3A_795 = tpu.memref_slice %arg3[%add3A_553] : memref<229376xi32, #tpu.memory_space<hbm>> -> memref<128xi32, #tpu.memory_space<hbm>>
        tpu.wait_dma2 semaphore(%run_scoped3A : memref<!tpu.dma_semaphore, #tpu.memory_space<semaphore_mem>>) src(%dma_wait3A_795 : memref<128xi32, #tpu.memory_space<hbm>>) dst(%arg7 : memref<128xi32, #tpu.memory_space<vmem>>)
        tpu.yield
      }) : () -> ()
      %dma_start3A_554 = arith.constant 0 : i32
      %dma_start3A_555 = arith.constant 0 : i32
      %dma_start3A_556 = tpu.memref_slice %arg2[%dma_start3A_554, %dma_start3A_555] : memref<100000x128xf32, #tpu.memory_space<hbm>> -> memref<100000x128xf32, #tpu.memory_space<hbm>>
      tpu.enqueue_indirect_dma source(%dma_start3A_556 : memref<100000x128xf32, #tpu.memory_space<hbm>>) target(%arg15 : memref<128x128xf32, #tpu.memory_space<vmem>>) offsets(%arg7 : memref<128xi32, #tpu.memory_space<vmem>>) semaphore(%arg23 : memref<!tpu.dma_semaphore, #tpu.memory_space<semaphore_mem>>)
      %mul3A_557 = arith.constant 2 : i32
      %mul3A_558 = arith.muli %mul3A_557, %add3A_381 : i32
      %add3A_559 = arith.addi %mul3A_4, %mul3A_558 : i32
      %add3A_560 = arith.constant 1 : i32
      %add3A_561 = arith.addi %add3A_559, %add3A_560 : i32
      %dma_wait3A_562 = arith.constant 0 : i32
      %dma_wait3A_563 = arith.constant 0 : i32
      %dma_wait3A_564 = tpu.memref_slice %arg16[%dma_wait3A_562, %dma_wait3A_563] : memref<96x128xf32, #tpu.memory_space<vmem>> -> memref<92x128xf32, #tpu.memory_space<vmem>>
      %dma_wait3A_565 = arith.constant 128 : i32
      %dma_wait3A_566 = arith.constant 0 : i32
      %dma_wait3A_567 = tpu.memref_slice %arg4[%add3A_561, %dma_wait3A_565, %dma_wait3A_566] : memref<1024x220x128xf32, #tpu.memory_space<hbm>> -> memref<1x92x128xf32, #tpu.memory_space<hbm>>
      %dma_wait3A_568 = tpu.memref_squeeze %dma_wait3A_567 : memref<1x92x128xf32, #tpu.memory_space<hbm>> -> memref<92x128xf32, #tpu.memory_space<hbm>>
      %dma_wait3A_569 = arith.constant 128 : i32
      %dma_wait3A_570 = arith.constant 0 : i32
      %dma_wait3A_571 = tpu.memref_slice %arg4[%add3A_561, %dma_wait3A_569, %dma_wait3A_570] : memref<1024x220x128xf32, #tpu.memory_space<hbm>> -> memref<1x92x128xf32, #tpu.memory_space<hbm>>
      %dma_wait3A_572 = tpu.memref_squeeze %dma_wait3A_571 : memref<1x92x128xf32, #tpu.memory_space<hbm>> -> memref<92x128xf32, #tpu.memory_space<hbm>>
      %dma_wait3A_573 = arith.constant 0 : i32
      %dma_wait3A_574 = arith.constant 0 : i32
      %dma_wait3A_575 = tpu.memref_slice %arg16[%dma_wait3A_573, %dma_wait3A_574] : memref<96x128xf32, #tpu.memory_space<vmem>> -> memref<92x128xf32, #tpu.memory_space<vmem>>
      tpu.wait_dma2 semaphore(%arg32 : memref<!tpu.dma_semaphore, #tpu.memory_space<semaphore_mem>>) src(%dma_wait3A_575 : memref<92x128xf32, #tpu.memory_space<vmem>>) dst(%dma_wait3A_572 : memref<92x128xf32, #tpu.memory_space<hbm>>)
      %add3A_576 = arith.constant 2 : i32
      %add3A_577 = arith.addi %add3A_381, %add3A_576 : i32
      %mul3A_578 = arith.constant 448 : i32
      %mul3A_579 = arith.muli %add3A_577, %mul3A_578 : i32
      %add3A_580 = arith.addi %mul3A_2, %mul3A_579 : i32
      %add3A_581 = arith.constant 352 : i32
      %add3A_582 = arith.addi %add3A_580, %add3A_581 : i32
      "tpu.region"() ({
        %run_scoped3A = tpu.sem_alloc : memref<!tpu.dma_semaphore, #tpu.memory_space<semaphore_mem>>
        %dma_start3A_792 = tpu.memref_slice %arg3[%add3A_582] : memref<229376xi32, #tpu.memory_space<hbm>> -> memref<96xi32, #tpu.memory_space<hbm>>
        %dma_start3A_793 = tpu.memref_slice %arg3[%add3A_582] : memref<229376xi32, #tpu.memory_space<hbm>> -> memref<96xi32, #tpu.memory_space<hbm>>
        tpu.enqueue_dma source(%dma_start3A_793 : memref<96xi32, #tpu.memory_space<hbm>>) target(%arg8 : memref<96xi32, #tpu.memory_space<vmem>>) target_semaphore(%run_scoped3A : memref<!tpu.dma_semaphore, #tpu.memory_space<semaphore_mem>>)
        %dma_wait3A_794 = tpu.memref_slice %arg3[%add3A_582] : memref<229376xi32, #tpu.memory_space<hbm>> -> memref<96xi32, #tpu.memory_space<hbm>>
        %dma_wait3A_795 = tpu.memref_slice %arg3[%add3A_582] : memref<229376xi32, #tpu.memory_space<hbm>> -> memref<96xi32, #tpu.memory_space<hbm>>
        tpu.wait_dma2 semaphore(%run_scoped3A : memref<!tpu.dma_semaphore, #tpu.memory_space<semaphore_mem>>) src(%dma_wait3A_795 : memref<96xi32, #tpu.memory_space<hbm>>) dst(%arg8 : memref<96xi32, #tpu.memory_space<vmem>>)
        tpu.yield
      }) : () -> ()
      %dma_start3A_583 = arith.constant 0 : i32
      %dma_start3A_584 = arith.constant 0 : i32
      %dma_start3A_585 = tpu.memref_slice %arg2[%dma_start3A_583, %dma_start3A_584] : memref<100000x128xf32, #tpu.memory_space<hbm>> -> memref<100000x128xf32, #tpu.memory_space<hbm>>
      tpu.enqueue_indirect_dma source(%dma_start3A_585 : memref<100000x128xf32, #tpu.memory_space<hbm>>) target(%arg16 : memref<96x128xf32, #tpu.memory_space<vmem>>) offsets(%arg8 : memref<96xi32, #tpu.memory_space<vmem>>) semaphore(%arg24 : memref<!tpu.dma_semaphore, #tpu.memory_space<semaphore_mem>>)
      %add3A_586 = arith.constant 1 : i32
      %add3A_587 = arith.addi %add3A_379, %add3A_586 : i32
      %dma_wait3A_588 = arith.constant 0 : i32
      %dma_wait3A_589 = arith.constant 0 : i32
      %dma_wait3A_590 = tpu.memref_slice %arg2[%dma_wait3A_588, %dma_wait3A_589] : memref<100000x128xf32, #tpu.memory_space<hbm>> -> memref<100000x128xf32, #tpu.memory_space<hbm>>
      tpu.wait_indirect_dma semaphore(%arg25 : memref<!tpu.dma_semaphore, #tpu.memory_space<semaphore_mem>>) src(%dma_wait3A_590 : memref<100000x128xf32, #tpu.memory_space<hbm>>) dst(%arg17 : memref<128x128xf32, #tpu.memory_space<vmem>>)
      %mul3A_591 = arith.constant 2 : i32
      %mul3A_592 = arith.muli %mul3A_591, %add3A_587 : i32
      %add3A_593 = arith.addi %mul3A_4, %mul3A_592 : i32
      %add3A_594 = arith.constant 0 : i32
      %add3A_595 = arith.addi %add3A_593, %add3A_594 : i32
      %dma_start3A_596 = arith.constant 0 : i32
      %dma_start3A_597 = arith.constant 0 : i32
      %dma_start3A_598 = tpu.memref_slice %arg17[%dma_start3A_596, %dma_start3A_597] : memref<128x128xf32, #tpu.memory_space<vmem>> -> memref<128x128xf32, #tpu.memory_space<vmem>>
      %dma_start3A_599 = arith.constant 0 : i32
      %dma_start3A_600 = arith.constant 0 : i32
      %dma_start3A_601 = tpu.memref_slice %arg4[%add3A_595, %dma_start3A_599, %dma_start3A_600] : memref<1024x220x128xf32, #tpu.memory_space<hbm>> -> memref<1x128x128xf32, #tpu.memory_space<hbm>>
      %dma_start3A_602 = tpu.memref_squeeze %dma_start3A_601 : memref<1x128x128xf32, #tpu.memory_space<hbm>> -> memref<128x128xf32, #tpu.memory_space<hbm>>
      %dma_start3A_603 = arith.constant 0 : i32
      %dma_start3A_604 = arith.constant 0 : i32
      %dma_start3A_605 = tpu.memref_slice %arg4[%add3A_595, %dma_start3A_603, %dma_start3A_604] : memref<1024x220x128xf32, #tpu.memory_space<hbm>> -> memref<1x128x128xf32, #tpu.memory_space<hbm>>
      %dma_start3A_606 = tpu.memref_squeeze %dma_start3A_605 : memref<1x128x128xf32, #tpu.memory_space<hbm>> -> memref<128x128xf32, #tpu.memory_space<hbm>>
      %dma_start3A_607 = arith.constant 0 : i32
      %dma_start3A_608 = arith.constant 0 : i32
      %dma_start3A_609 = tpu.memref_slice %arg17[%dma_start3A_607, %dma_start3A_608] : memref<128x128xf32, #tpu.memory_space<vmem>> -> memref<128x128xf32, #tpu.memory_space<vmem>>
      tpu.enqueue_dma source(%dma_start3A_609 : memref<128x128xf32, #tpu.memory_space<vmem>>) target(%dma_start3A_606 : memref<128x128xf32, #tpu.memory_space<hbm>>) target_semaphore(%arg33 : memref<!tpu.dma_semaphore, #tpu.memory_space<semaphore_mem>>)
      %dma_wait3A_610 = arith.constant 0 : i32
      %dma_wait3A_611 = arith.constant 0 : i32
      %dma_wait3A_612 = tpu.memref_slice %arg2[%dma_wait3A_610, %dma_wait3A_611] : memref<100000x128xf32, #tpu.memory_space<hbm>> -> memref<100000x128xf32, #tpu.memory_space<hbm>>
      tpu.wait_indirect_dma semaphore(%arg26 : memref<!tpu.dma_semaphore, #tpu.memory_space<semaphore_mem>>) src(%dma_wait3A_612 : memref<100000x128xf32, #tpu.memory_space<hbm>>) dst(%arg18 : memref<96x128xf32, #tpu.memory_space<vmem>>)
      %mul3A_613 = arith.constant 2 : i32
      %mul3A_614 = arith.muli %mul3A_613, %add3A_587 : i32
      %add3A_615 = arith.addi %mul3A_4, %mul3A_614 : i32
      %add3A_616 = arith.constant 0 : i32
      %add3A_617 = arith.addi %add3A_615, %add3A_616 : i32
      %dma_start3A_618 = arith.constant 0 : i32
      %dma_start3A_619 = arith.constant 0 : i32
      %dma_start3A_620 = tpu.memref_slice %arg18[%dma_start3A_618, %dma_start3A_619] : memref<96x128xf32, #tpu.memory_space<vmem>> -> memref<92x128xf32, #tpu.memory_space<vmem>>
      %dma_start3A_621 = arith.constant 128 : i32
      %dma_start3A_622 = arith.constant 0 : i32
      %dma_start3A_623 = tpu.memref_slice %arg4[%add3A_617, %dma_start3A_621, %dma_start3A_622] : memref<1024x220x128xf32, #tpu.memory_space<hbm>> -> memref<1x92x128xf32, #tpu.memory_space<hbm>>
      %dma_start3A_624 = tpu.memref_squeeze %dma_start3A_623 : memref<1x92x128xf32, #tpu.memory_space<hbm>> -> memref<92x128xf32, #tpu.memory_space<hbm>>
      %dma_start3A_625 = arith.constant 128 : i32
      %dma_start3A_626 = arith.constant 0 : i32
      %dma_start3A_627 = tpu.memref_slice %arg4[%add3A_617, %dma_start3A_625, %dma_start3A_626] : memref<1024x220x128xf32, #tpu.memory_space<hbm>> -> memref<1x92x128xf32, #tpu.memory_space<hbm>>
      %dma_start3A_628 = tpu.memref_squeeze %dma_start3A_627 : memref<1x92x128xf32, #tpu.memory_space<hbm>> -> memref<92x128xf32, #tpu.memory_space<hbm>>
      %dma_start3A_629 = arith.constant 0 : i32
      %dma_start3A_630 = arith.constant 0 : i32
      %dma_start3A_631 = tpu.memref_slice %arg18[%dma_start3A_629, %dma_start3A_630] : memref<96x128xf32, #tpu.memory_space<vmem>> -> memref<92x128xf32, #tpu.memory_space<vmem>>
      tpu.enqueue_dma source(%dma_start3A_631 : memref<92x128xf32, #tpu.memory_space<vmem>>) target(%dma_start3A_628 : memref<92x128xf32, #tpu.memory_space<hbm>>) target_semaphore(%arg34 : memref<!tpu.dma_semaphore, #tpu.memory_space<semaphore_mem>>)
      %dma_wait3A_632 = arith.constant 0 : i32
      %dma_wait3A_633 = arith.constant 0 : i32
      %dma_wait3A_634 = tpu.memref_slice %arg2[%dma_wait3A_632, %dma_wait3A_633] : memref<100000x128xf32, #tpu.memory_space<hbm>> -> memref<100000x128xf32, #tpu.memory_space<hbm>>
      tpu.wait_indirect_dma semaphore(%arg27 : memref<!tpu.dma_semaphore, #tpu.memory_space<semaphore_mem>>) src(%dma_wait3A_634 : memref<100000x128xf32, #tpu.memory_space<hbm>>) dst(%arg19 : memref<128x128xf32, #tpu.memory_space<vmem>>)
      %mul3A_635 = arith.constant 2 : i32
      %mul3A_636 = arith.muli %mul3A_635, %add3A_587 : i32
      %add3A_637 = arith.addi %mul3A_4, %mul3A_636 : i32
      %add3A_638 = arith.constant 1 : i32
      %add3A_639 = arith.addi %add3A_637, %add3A_638 : i32
      %dma_start3A_640 = arith.constant 0 : i32
      %dma_start3A_641 = arith.constant 0 : i32
      %dma_start3A_642 = tpu.memref_slice %arg19[%dma_start3A_640, %dma_start3A_641] : memref<128x128xf32, #tpu.memory_space<vmem>> -> memref<128x128xf32, #tpu.memory_space<vmem>>
      %dma_start3A_643 = arith.constant 0 : i32
      %dma_start3A_644 = arith.constant 0 : i32
      %dma_start3A_645 = tpu.memref_slice %arg4[%add3A_639, %dma_start3A_643, %dma_start3A_644] : memref<1024x220x128xf32, #tpu.memory_space<hbm>> -> memref<1x128x128xf32, #tpu.memory_space<hbm>>
      %dma_start3A_646 = tpu.memref_squeeze %dma_start3A_645 : memref<1x128x128xf32, #tpu.memory_space<hbm>> -> memref<128x128xf32, #tpu.memory_space<hbm>>
      %dma_start3A_647 = arith.constant 0 : i32
      %dma_start3A_648 = arith.constant 0 : i32
      %dma_start3A_649 = tpu.memref_slice %arg4[%add3A_639, %dma_start3A_647, %dma_start3A_648] : memref<1024x220x128xf32, #tpu.memory_space<hbm>> -> memref<1x128x128xf32, #tpu.memory_space<hbm>>
      %dma_start3A_650 = tpu.memref_squeeze %dma_start3A_649 : memref<1x128x128xf32, #tpu.memory_space<hbm>> -> memref<128x128xf32, #tpu.memory_space<hbm>>
      %dma_start3A_651 = arith.constant 0 : i32
      %dma_start3A_652 = arith.constant 0 : i32
      %dma_start3A_653 = tpu.memref_slice %arg19[%dma_start3A_651, %dma_start3A_652] : memref<128x128xf32, #tpu.memory_space<vmem>> -> memref<128x128xf32, #tpu.memory_space<vmem>>
      tpu.enqueue_dma source(%dma_start3A_653 : memref<128x128xf32, #tpu.memory_space<vmem>>) target(%dma_start3A_650 : memref<128x128xf32, #tpu.memory_space<hbm>>) target_semaphore(%arg35 : memref<!tpu.dma_semaphore, #tpu.memory_space<semaphore_mem>>)
      %dma_wait3A_654 = arith.constant 0 : i32
      %dma_wait3A_655 = arith.constant 0 : i32
      %dma_wait3A_656 = tpu.memref_slice %arg2[%dma_wait3A_654, %dma_wait3A_655] : memref<100000x128xf32, #tpu.memory_space<hbm>> -> memref<100000x128xf32, #tpu.memory_space<hbm>>
      tpu.wait_indirect_dma semaphore(%arg28 : memref<!tpu.dma_semaphore, #tpu.memory_space<semaphore_mem>>) src(%dma_wait3A_656 : memref<100000x128xf32, #tpu.memory_space<hbm>>) dst(%arg20 : memref<96x128xf32, #tpu.memory_space<vmem>>)
      %mul3A_657 = arith.constant 2 : i32
      %mul3A_658 = arith.muli %mul3A_657, %add3A_587 : i32
      %add3A_659 = arith.addi %mul3A_4, %mul3A_658 : i32
      %add3A_660 = arith.constant 1 : i32
      %add3A_661 = arith.addi %add3A_659, %add3A_660 : i32
      %dma_start3A_662 = arith.constant 0 : i32
      %dma_start3A_663 = arith.constant 0 : i32
      %dma_start3A_664 = tpu.memref_slice %arg20[%dma_start3A_662, %dma_start3A_663] : memref<96x128xf32, #tpu.memory_space<vmem>> -> memref<92x128xf32, #tpu.memory_space<vmem>>
      %dma_start3A_665 = arith.constant 128 : i32
      %dma_start3A_666 = arith.constant 0 : i32
      %dma_start3A_667 = tpu.memref_slice %arg4[%add3A_661, %dma_start3A_665, %dma_start3A_666] : memref<1024x220x128xf32, #tpu.memory_space<hbm>> -> memref<1x92x128xf32, #tpu.memory_space<hbm>>
      %dma_start3A_668 = tpu.memref_squeeze %dma_start3A_667 : memref<1x92x128xf32, #tpu.memory_space<hbm>> -> memref<92x128xf32, #tpu.memory_space<hbm>>
      %dma_start3A_669 = arith.constant 128 : i32
      %dma_start3A_670 = arith.constant 0 : i32
      %dma_start3A_671 = tpu.memref_slice %arg4[%add3A_661, %dma_start3A_669, %dma_start3A_670] : memref<1024x220x128xf32, #tpu.memory_space<hbm>> -> memref<1x92x128xf32, #tpu.memory_space<hbm>>
      %dma_start3A_672 = tpu.memref_squeeze %dma_start3A_671 : memref<1x92x128xf32, #tpu.memory_space<hbm>> -> memref<92x128xf32, #tpu.memory_space<hbm>>
      %dma_start3A_673 = arith.constant 0 : i32
      %dma_start3A_674 = arith.constant 0 : i32
      %dma_start3A_675 = tpu.memref_slice %arg20[%dma_start3A_673, %dma_start3A_674] : memref<96x128xf32, #tpu.memory_space<vmem>> -> memref<92x128xf32, #tpu.memory_space<vmem>>
      tpu.enqueue_dma source(%dma_start3A_675 : memref<92x128xf32, #tpu.memory_space<vmem>>) target(%dma_start3A_672 : memref<92x128xf32, #tpu.memory_space<hbm>>) target_semaphore(%arg36 : memref<!tpu.dma_semaphore, #tpu.memory_space<semaphore_mem>>)
      %mul3A_676 = arith.constant 2 : i32
      %mul3A_677 = arith.muli %mul3A_676, %add3A_587 : i32
      %add3A_678 = arith.addi %mul3A_4, %mul3A_677 : i32
      %add3A_679 = arith.constant 0 : i32
      %add3A_680 = arith.addi %add3A_678, %add3A_679 : i32
      %dma_wait3A_681 = arith.constant 0 : i32
      %dma_wait3A_682 = arith.constant 0 : i32
      %dma_wait3A_683 = tpu.memref_slice %arg17[%dma_wait3A_681, %dma_wait3A_682] : memref<128x128xf32, #tpu.memory_space<vmem>> -> memref<128x128xf32, #tpu.memory_space<vmem>>
      %dma_wait3A_684 = arith.constant 0 : i32
      %dma_wait3A_685 = arith.constant 0 : i32
      %dma_wait3A_686 = tpu.memref_slice %arg4[%add3A_680, %dma_wait3A_684, %dma_wait3A_685] : memref<1024x220x128xf32, #tpu.memory_space<hbm>> -> memref<1x128x128xf32, #tpu.memory_space<hbm>>
      %dma_wait3A_687 = tpu.memref_squeeze %dma_wait3A_686 : memref<1x128x128xf32, #tpu.memory_space<hbm>> -> memref<128x128xf32, #tpu.memory_space<hbm>>
      %dma_wait3A_688 = arith.constant 0 : i32
      %dma_wait3A_689 = arith.constant 0 : i32
      %dma_wait3A_690 = tpu.memref_slice %arg4[%add3A_680, %dma_wait3A_688, %dma_wait3A_689] : memref<1024x220x128xf32, #tpu.memory_space<hbm>> -> memref<1x128x128xf32, #tpu.memory_space<hbm>>
      %dma_wait3A_691 = tpu.memref_squeeze %dma_wait3A_690 : memref<1x128x128xf32, #tpu.memory_space<hbm>> -> memref<128x128xf32, #tpu.memory_space<hbm>>
      %dma_wait3A_692 = arith.constant 0 : i32
      %dma_wait3A_693 = arith.constant 0 : i32
      %dma_wait3A_694 = tpu.memref_slice %arg17[%dma_wait3A_692, %dma_wait3A_693] : memref<128x128xf32, #tpu.memory_space<vmem>> -> memref<128x128xf32, #tpu.memory_space<vmem>>
      tpu.wait_dma2 semaphore(%arg33 : memref<!tpu.dma_semaphore, #tpu.memory_space<semaphore_mem>>) src(%dma_wait3A_694 : memref<128x128xf32, #tpu.memory_space<vmem>>) dst(%dma_wait3A_691 : memref<128x128xf32, #tpu.memory_space<hbm>>)
      %add3A_695 = arith.constant 2 : i32
      %add3A_696 = arith.addi %add3A_587, %add3A_695 : i32
      %mul3A_697 = arith.constant 448 : i32
      %mul3A_698 = arith.muli %add3A_696, %mul3A_697 : i32
      %add3A_699 = arith.addi %mul3A_2, %mul3A_698 : i32
      %add3A_700 = arith.constant 0 : i32
      %add3A_701 = arith.addi %add3A_699, %add3A_700 : i32
      "tpu.region"() ({
        %run_scoped3A = tpu.sem_alloc : memref<!tpu.dma_semaphore, #tpu.memory_space<semaphore_mem>>
        %dma_start3A_792 = tpu.memref_slice %arg3[%add3A_701] : memref<229376xi32, #tpu.memory_space<hbm>> -> memref<128xi32, #tpu.memory_space<hbm>>
        %dma_start3A_793 = tpu.memref_slice %arg3[%add3A_701] : memref<229376xi32, #tpu.memory_space<hbm>> -> memref<128xi32, #tpu.memory_space<hbm>>
        tpu.enqueue_dma source(%dma_start3A_793 : memref<128xi32, #tpu.memory_space<hbm>>) target(%arg9 : memref<128xi32, #tpu.memory_space<vmem>>) target_semaphore(%run_scoped3A : memref<!tpu.dma_semaphore, #tpu.memory_space<semaphore_mem>>)
        %dma_wait3A_794 = tpu.memref_slice %arg3[%add3A_701] : memref<229376xi32, #tpu.memory_space<hbm>> -> memref<128xi32, #tpu.memory_space<hbm>>
        %dma_wait3A_795 = tpu.memref_slice %arg3[%add3A_701] : memref<229376xi32, #tpu.memory_space<hbm>> -> memref<128xi32, #tpu.memory_space<hbm>>
        tpu.wait_dma2 semaphore(%run_scoped3A : memref<!tpu.dma_semaphore, #tpu.memory_space<semaphore_mem>>) src(%dma_wait3A_795 : memref<128xi32, #tpu.memory_space<hbm>>) dst(%arg9 : memref<128xi32, #tpu.memory_space<vmem>>)
        tpu.yield
      }) : () -> ()
      %dma_start3A_702 = arith.constant 0 : i32
      %dma_start3A_703 = arith.constant 0 : i32
      %dma_start3A_704 = tpu.memref_slice %arg2[%dma_start3A_702, %dma_start3A_703] : memref<100000x128xf32, #tpu.memory_space<hbm>> -> memref<100000x128xf32, #tpu.memory_space<hbm>>
      tpu.enqueue_indirect_dma source(%dma_start3A_704 : memref<100000x128xf32, #tpu.memory_space<hbm>>) target(%arg17 : memref<128x128xf32, #tpu.memory_space<vmem>>) offsets(%arg9 : memref<128xi32, #tpu.memory_space<vmem>>) semaphore(%arg25 : memref<!tpu.dma_semaphore, #tpu.memory_space<semaphore_mem>>)
      %mul3A_705 = arith.constant 2 : i32
      %mul3A_706 = arith.muli %mul3A_705, %add3A_587 : i32
      %add3A_707 = arith.addi %mul3A_4, %mul3A_706 : i32
      %add3A_708 = arith.constant 0 : i32
      %add3A_709 = arith.addi %add3A_707, %add3A_708 : i32
      %dma_wait3A_710 = arith.constant 0 : i32
      %dma_wait3A_711 = arith.constant 0 : i32
      %dma_wait3A_712 = tpu.memref_slice %arg18[%dma_wait3A_710, %dma_wait3A_711] : memref<96x128xf32, #tpu.memory_space<vmem>> -> memref<92x128xf32, #tpu.memory_space<vmem>>
      %dma_wait3A_713 = arith.constant 128 : i32
      %dma_wait3A_714 = arith.constant 0 : i32
      %dma_wait3A_715 = tpu.memref_slice %arg4[%add3A_709, %dma_wait3A_713, %dma_wait3A_714] : memref<1024x220x128xf32, #tpu.memory_space<hbm>> -> memref<1x92x128xf32, #tpu.memory_space<hbm>>
      %dma_wait3A_716 = tpu.memref_squeeze %dma_wait3A_715 : memref<1x92x128xf32, #tpu.memory_space<hbm>> -> memref<92x128xf32, #tpu.memory_space<hbm>>
      %dma_wait3A_717 = arith.constant 128 : i32
      %dma_wait3A_718 = arith.constant 0 : i32
      %dma_wait3A_719 = tpu.memref_slice %arg4[%add3A_709, %dma_wait3A_717, %dma_wait3A_718] : memref<1024x220x128xf32, #tpu.memory_space<hbm>> -> memref<1x92x128xf32, #tpu.memory_space<hbm>>
      %dma_wait3A_720 = tpu.memref_squeeze %dma_wait3A_719 : memref<1x92x128xf32, #tpu.memory_space<hbm>> -> memref<92x128xf32, #tpu.memory_space<hbm>>
      %dma_wait3A_721 = arith.constant 0 : i32
      %dma_wait3A_722 = arith.constant 0 : i32
      %dma_wait3A_723 = tpu.memref_slice %arg18[%dma_wait3A_721, %dma_wait3A_722] : memref<96x128xf32, #tpu.memory_space<vmem>> -> memref<92x128xf32, #tpu.memory_space<vmem>>
      tpu.wait_dma2 semaphore(%arg34 : memref<!tpu.dma_semaphore, #tpu.memory_space<semaphore_mem>>) src(%dma_wait3A_723 : memref<92x128xf32, #tpu.memory_space<vmem>>) dst(%dma_wait3A_720 : memref<92x128xf32, #tpu.memory_space<hbm>>)
      %add3A_724 = arith.constant 2 : i32
      %add3A_725 = arith.addi %add3A_587, %add3A_724 : i32
      %mul3A_726 = arith.constant 448 : i32
      %mul3A_727 = arith.muli %add3A_725, %mul3A_726 : i32
      %add3A_728 = arith.addi %mul3A_2, %mul3A_727 : i32
      %add3A_729 = arith.constant 128 : i32
      %add3A_730 = arith.addi %add3A_728, %add3A_729 : i32
      "tpu.region"() ({
        %run_scoped3A = tpu.sem_alloc : memref<!tpu.dma_semaphore, #tpu.memory_space<semaphore_mem>>
        %dma_start3A_792 = tpu.memref_slice %arg3[%add3A_730] : memref<229376xi32, #tpu.memory_space<hbm>> -> memref<96xi32, #tpu.memory_space<hbm>>
        %dma_start3A_793 = tpu.memref_slice %arg3[%add3A_730] : memref<229376xi32, #tpu.memory_space<hbm>> -> memref<96xi32, #tpu.memory_space<hbm>>
        tpu.enqueue_dma source(%dma_start3A_793 : memref<96xi32, #tpu.memory_space<hbm>>) target(%arg10 : memref<96xi32, #tpu.memory_space<vmem>>) target_semaphore(%run_scoped3A : memref<!tpu.dma_semaphore, #tpu.memory_space<semaphore_mem>>)
        %dma_wait3A_794 = tpu.memref_slice %arg3[%add3A_730] : memref<229376xi32, #tpu.memory_space<hbm>> -> memref<96xi32, #tpu.memory_space<hbm>>
        %dma_wait3A_795 = tpu.memref_slice %arg3[%add3A_730] : memref<229376xi32, #tpu.memory_space<hbm>> -> memref<96xi32, #tpu.memory_space<hbm>>
        tpu.wait_dma2 semaphore(%run_scoped3A : memref<!tpu.dma_semaphore, #tpu.memory_space<semaphore_mem>>) src(%dma_wait3A_795 : memref<96xi32, #tpu.memory_space<hbm>>) dst(%arg10 : memref<96xi32, #tpu.memory_space<vmem>>)
        tpu.yield
      }) : () -> ()
      %dma_start3A_731 = arith.constant 0 : i32
      %dma_start3A_732 = arith.constant 0 : i32
      %dma_start3A_733 = tpu.memref_slice %arg2[%dma_start3A_731, %dma_start3A_732] : memref<100000x128xf32, #tpu.memory_space<hbm>> -> memref<100000x128xf32, #tpu.memory_space<hbm>>
      tpu.enqueue_indirect_dma source(%dma_start3A_733 : memref<100000x128xf32, #tpu.memory_space<hbm>>) target(%arg18 : memref<96x128xf32, #tpu.memory_space<vmem>>) offsets(%arg10 : memref<96xi32, #tpu.memory_space<vmem>>) semaphore(%arg26 : memref<!tpu.dma_semaphore, #tpu.memory_space<semaphore_mem>>)
      %mul3A_734 = arith.constant 2 : i32
      %mul3A_735 = arith.muli %mul3A_734, %add3A_587 : i32
      %add3A_736 = arith.addi %mul3A_4, %mul3A_735 : i32
      %add3A_737 = arith.constant 1 : i32
      %add3A_738 = arith.addi %add3A_736, %add3A_737 : i32
      %dma_wait3A_739 = arith.constant 0 : i32
      %dma_wait3A_740 = arith.constant 0 : i32
      %dma_wait3A_741 = tpu.memref_slice %arg19[%dma_wait3A_739, %dma_wait3A_740] : memref<128x128xf32, #tpu.memory_space<vmem>> -> memref<128x128xf32, #tpu.memory_space<vmem>>
      %dma_wait3A_742 = arith.constant 0 : i32
      %dma_wait3A_743 = arith.constant 0 : i32
      %dma_wait3A_744 = tpu.memref_slice %arg4[%add3A_738, %dma_wait3A_742, %dma_wait3A_743] : memref<1024x220x128xf32, #tpu.memory_space<hbm>> -> memref<1x128x128xf32, #tpu.memory_space<hbm>>
      %dma_wait3A_745 = tpu.memref_squeeze %dma_wait3A_744 : memref<1x128x128xf32, #tpu.memory_space<hbm>> -> memref<128x128xf32, #tpu.memory_space<hbm>>
      %dma_wait3A_746 = arith.constant 0 : i32
      %dma_wait3A_747 = arith.constant 0 : i32
      %dma_wait3A_748 = tpu.memref_slice %arg4[%add3A_738, %dma_wait3A_746, %dma_wait3A_747] : memref<1024x220x128xf32, #tpu.memory_space<hbm>> -> memref<1x128x128xf32, #tpu.memory_space<hbm>>
      %dma_wait3A_749 = tpu.memref_squeeze %dma_wait3A_748 : memref<1x128x128xf32, #tpu.memory_space<hbm>> -> memref<128x128xf32, #tpu.memory_space<hbm>>
      %dma_wait3A_750 = arith.constant 0 : i32
      %dma_wait3A_751 = arith.constant 0 : i32
      %dma_wait3A_752 = tpu.memref_slice %arg19[%dma_wait3A_750, %dma_wait3A_751] : memref<128x128xf32, #tpu.memory_space<vmem>> -> memref<128x128xf32, #tpu.memory_space<vmem>>
      tpu.wait_dma2 semaphore(%arg35 : memref<!tpu.dma_semaphore, #tpu.memory_space<semaphore_mem>>) src(%dma_wait3A_752 : memref<128x128xf32, #tpu.memory_space<vmem>>) dst(%dma_wait3A_749 : memref<128x128xf32, #tpu.memory_space<hbm>>)
      %add3A_753 = arith.constant 2 : i32
      %add3A_754 = arith.addi %add3A_587, %add3A_753 : i32
      %mul3A_755 = arith.constant 448 : i32
      %mul3A_756 = arith.muli %add3A_754, %mul3A_755 : i32
      %add3A_757 = arith.addi %mul3A_2, %mul3A_756 : i32
      %add3A_758 = arith.constant 224 : i32
      %add3A_759 = arith.addi %add3A_757, %add3A_758 : i32
      "tpu.region"() ({
        %run_scoped3A = tpu.sem_alloc : memref<!tpu.dma_semaphore, #tpu.memory_space<semaphore_mem>>
        %dma_start3A_792 = tpu.memref_slice %arg3[%add3A_759] : memref<229376xi32, #tpu.memory_space<hbm>> -> memref<128xi32, #tpu.memory_space<hbm>>
        %dma_start3A_793 = tpu.memref_slice %arg3[%add3A_759] : memref<229376xi32, #tpu.memory_space<hbm>> -> memref<128xi32, #tpu.memory_space<hbm>>
        tpu.enqueue_dma source(%dma_start3A_793 : memref<128xi32, #tpu.memory_space<hbm>>) target(%arg11 : memref<128xi32, #tpu.memory_space<vmem>>) target_semaphore(%run_scoped3A : memref<!tpu.dma_semaphore, #tpu.memory_space<semaphore_mem>>)
        %dma_wait3A_794 = tpu.memref_slice %arg3[%add3A_759] : memref<229376xi32, #tpu.memory_space<hbm>> -> memref<128xi32, #tpu.memory_space<hbm>>
        %dma_wait3A_795 = tpu.memref_slice %arg3[%add3A_759] : memref<229376xi32, #tpu.memory_space<hbm>> -> memref<128xi32, #tpu.memory_space<hbm>>
        tpu.wait_dma2 semaphore(%run_scoped3A : memref<!tpu.dma_semaphore, #tpu.memory_space<semaphore_mem>>) src(%dma_wait3A_795 : memref<128xi32, #tpu.memory_space<hbm>>) dst(%arg11 : memref<128xi32, #tpu.memory_space<vmem>>)
        tpu.yield
      }) : () -> ()
      %dma_start3A_760 = arith.constant 0 : i32
      %dma_start3A_761 = arith.constant 0 : i32
      %dma_start3A_762 = tpu.memref_slice %arg2[%dma_start3A_760, %dma_start3A_761] : memref<100000x128xf32, #tpu.memory_space<hbm>> -> memref<100000x128xf32, #tpu.memory_space<hbm>>
      tpu.enqueue_indirect_dma source(%dma_start3A_762 : memref<100000x128xf32, #tpu.memory_space<hbm>>) target(%arg19 : memref<128x128xf32, #tpu.memory_space<vmem>>) offsets(%arg11 : memref<128xi32, #tpu.memory_space<vmem>>) semaphore(%arg27 : memref<!tpu.dma_semaphore, #tpu.memory_space<semaphore_mem>>)
      %mul3A_763 = arith.constant 2 : i32
      %mul3A_764 = arith.muli %mul3A_763, %add3A_587 : i32
      %add3A_765 = arith.addi %mul3A_4, %mul3A_764 : i32
      %add3A_766 = arith.constant 1 : i32
      %add3A_767 = arith.addi %add3A_765, %add3A_766 : i32
      %dma_wait3A_768 = arith.constant 0 : i32
      %dma_wait3A_769 = arith.constant 0 : i32
      %dma_wait3A_770 = tpu.memref_slice %arg20[%dma_wait3A_768, %dma_wait3A_769] : memref<96x128xf32, #tpu.memory_space<vmem>> -> memref<92x128xf32, #tpu.memory_space<vmem>>
      %dma_wait3A_771 = arith.constant 128 : i32
      %dma_wait3A_772 = arith.constant 0 : i32
      %dma_wait3A_773 = tpu.memref_slice %arg4[%add3A_767, %dma_wait3A_771, %dma_wait3A_772] : memref<1024x220x128xf32, #tpu.memory_space<hbm>> -> memref<1x92x128xf32, #tpu.memory_space<hbm>>
      %dma_wait3A_774 = tpu.memref_squeeze %dma_wait3A_773 : memref<1x92x128xf32, #tpu.memory_space<hbm>> -> memref<92x128xf32, #tpu.memory_space<hbm>>
      %dma_wait3A_775 = arith.constant 128 : i32
      %dma_wait3A_776 = arith.constant 0 : i32
      %dma_wait3A_777 = tpu.memref_slice %arg4[%add3A_767, %dma_wait3A_775, %dma_wait3A_776] : memref<1024x220x128xf32, #tpu.memory_space<hbm>> -> memref<1x92x128xf32, #tpu.memory_space<hbm>>
      %dma_wait3A_778 = tpu.memref_squeeze %dma_wait3A_777 : memref<1x92x128xf32, #tpu.memory_space<hbm>> -> memref<92x128xf32, #tpu.memory_space<hbm>>
      %dma_wait3A_779 = arith.constant 0 : i32
      %dma_wait3A_780 = arith.constant 0 : i32
      %dma_wait3A_781 = tpu.memref_slice %arg20[%dma_wait3A_779, %dma_wait3A_780] : memref<96x128xf32, #tpu.memory_space<vmem>> -> memref<92x128xf32, #tpu.memory_space<vmem>>
      tpu.wait_dma2 semaphore(%arg36 : memref<!tpu.dma_semaphore, #tpu.memory_space<semaphore_mem>>) src(%dma_wait3A_781 : memref<92x128xf32, #tpu.memory_space<vmem>>) dst(%dma_wait3A_778 : memref<92x128xf32, #tpu.memory_space<hbm>>)
      %add3A_782 = arith.constant 2 : i32
      %add3A_783 = arith.addi %add3A_587, %add3A_782 : i32
      %mul3A_784 = arith.constant 448 : i32
      %mul3A_785 = arith.muli %add3A_783, %mul3A_784 : i32
      %add3A_786 = arith.addi %mul3A_2, %mul3A_785 : i32
      %add3A_787 = arith.constant 352 : i32
      %add3A_788 = arith.addi %add3A_786, %add3A_787 : i32
      "tpu.region"() ({
        %run_scoped3A = tpu.sem_alloc : memref<!tpu.dma_semaphore, #tpu.memory_space<semaphore_mem>>
        %dma_start3A_792 = tpu.memref_slice %arg3[%add3A_788] : memref<229376xi32, #tpu.memory_space<hbm>> -> memref<96xi32, #tpu.memory_space<hbm>>
        %dma_start3A_793 = tpu.memref_slice %arg3[%add3A_788] : memref<229376xi32, #tpu.memory_space<hbm>> -> memref<96xi32, #tpu.memory_space<hbm>>
        tpu.enqueue_dma source(%dma_start3A_793 : memref<96xi32, #tpu.memory_space<hbm>>) target(%arg12 : memref<96xi32, #tpu.memory_space<vmem>>) target_semaphore(%run_scoped3A : memref<!tpu.dma_semaphore, #tpu.memory_space<semaphore_mem>>)
        %dma_wait3A_794 = tpu.memref_slice %arg3[%add3A_788] : memref<229376xi32, #tpu.memory_space<hbm>> -> memref<96xi32, #tpu.memory_space<hbm>>
        %dma_wait3A_795 = tpu.memref_slice %arg3[%add3A_788] : memref<229376xi32, #tpu.memory_space<hbm>> -> memref<96xi32, #tpu.memory_space<hbm>>
        tpu.wait_dma2 semaphore(%run_scoped3A : memref<!tpu.dma_semaphore, #tpu.memory_space<semaphore_mem>>) src(%dma_wait3A_795 : memref<96xi32, #tpu.memory_space<hbm>>) dst(%arg12 : memref<96xi32, #tpu.memory_space<vmem>>)
        tpu.yield
      }) : () -> ()
      %dma_start3A_789 = arith.constant 0 : i32
      %dma_start3A_790 = arith.constant 0 : i32
      %dma_start3A_791 = tpu.memref_slice %arg2[%dma_start3A_789, %dma_start3A_790] : memref<100000x128xf32, #tpu.memory_space<hbm>> -> memref<100000x128xf32, #tpu.memory_space<hbm>>
      tpu.enqueue_indirect_dma source(%dma_start3A_791 : memref<100000x128xf32, #tpu.memory_space<hbm>>) target(%arg20 : memref<96x128xf32, #tpu.memory_space<vmem>>) offsets(%arg12 : memref<96xi32, #tpu.memory_space<vmem>>) semaphore(%arg28 : memref<!tpu.dma_semaphore, #tpu.memory_space<semaphore_mem>>)
    }
    %scan3A_63 = arith.constant 7 : i32
    %dma_wait3A = arith.constant 0 : i32
    %dma_wait3A_64 = arith.constant 0 : i32
    %dma_wait3A_65 = tpu.memref_slice %arg2[%dma_wait3A, %dma_wait3A_64] : memref<100000x128xf32, #tpu.memory_space<hbm>> -> memref<100000x128xf32, #tpu.memory_space<hbm>>
    tpu.wait_indirect_dma semaphore(%arg21 : memref<!tpu.dma_semaphore, #tpu.memory_space<semaphore_mem>>) src(%dma_wait3A_65 : memref<100000x128xf32, #tpu.memory_space<hbm>>) dst(%arg13 : memref<128x128xf32, #tpu.memory_space<vmem>>)
    %add3A_66 = arith.constant 28 : i32
    %add3A_67 = arith.addi %mul3A_4, %add3A_66 : i32
    %add3A_68 = arith.constant 0 : i32
    %add3A_69 = arith.addi %add3A_67, %add3A_68 : i32
    %dma_start3A_70 = arith.constant 0 : i32
    %dma_start3A_71 = arith.constant 0 : i32
    %dma_start3A_72 = tpu.memref_slice %arg13[%dma_start3A_70, %dma_start3A_71] : memref<128x128xf32, #tpu.memory_space<vmem>> -> memref<128x128xf32, #tpu.memory_space<vmem>>
    %dma_start3A_73 = arith.constant 0 : i32
    %dma_start3A_74 = arith.constant 0 : i32
    %dma_start3A_75 = tpu.memref_slice %arg4[%add3A_69, %dma_start3A_73, %dma_start3A_74] : memref<1024x220x128xf32, #tpu.memory_space<hbm>> -> memref<1x128x128xf32, #tpu.memory_space<hbm>>
    %dma_start3A_76 = tpu.memref_squeeze %dma_start3A_75 : memref<1x128x128xf32, #tpu.memory_space<hbm>> -> memref<128x128xf32, #tpu.memory_space<hbm>>
    %dma_start3A_77 = arith.constant 0 : i32
    %dma_start3A_78 = arith.constant 0 : i32
    %dma_start3A_79 = tpu.memref_slice %arg4[%add3A_69, %dma_start3A_77, %dma_start3A_78] : memref<1024x220x128xf32, #tpu.memory_space<hbm>> -> memref<1x128x128xf32, #tpu.memory_space<hbm>>
    %dma_start3A_80 = tpu.memref_squeeze %dma_start3A_79 : memref<1x128x128xf32, #tpu.memory_space<hbm>> -> memref<128x128xf32, #tpu.memory_space<hbm>>
    %dma_start3A_81 = arith.constant 0 : i32
    %dma_start3A_82 = arith.constant 0 : i32
    %dma_start3A_83 = tpu.memref_slice %arg13[%dma_start3A_81, %dma_start3A_82] : memref<128x128xf32, #tpu.memory_space<vmem>> -> memref<128x128xf32, #tpu.memory_space<vmem>>
    tpu.enqueue_dma source(%dma_start3A_83 : memref<128x128xf32, #tpu.memory_space<vmem>>) target(%dma_start3A_80 : memref<128x128xf32, #tpu.memory_space<hbm>>) target_semaphore(%arg29 : memref<!tpu.dma_semaphore, #tpu.memory_space<semaphore_mem>>)
    %dma_wait3A_84 = arith.constant 0 : i32
    %dma_wait3A_85 = arith.constant 0 : i32
    %dma_wait3A_86 = tpu.memref_slice %arg2[%dma_wait3A_84, %dma_wait3A_85] : memref<100000x128xf32, #tpu.memory_space<hbm>> -> memref<100000x128xf32, #tpu.memory_space<hbm>>
    tpu.wait_indirect_dma semaphore(%arg22 : memref<!tpu.dma_semaphore, #tpu.memory_space<semaphore_mem>>) src(%dma_wait3A_86 : memref<100000x128xf32, #tpu.memory_space<hbm>>) dst(%arg14 : memref<96x128xf32, #tpu.memory_space<vmem>>)
    %add3A_87 = arith.constant 28 : i32
    %add3A_88 = arith.addi %mul3A_4, %add3A_87 : i32
    %add3A_89 = arith.constant 0 : i32
    %add3A_90 = arith.addi %add3A_88, %add3A_89 : i32
    %dma_start3A_91 = arith.constant 0 : i32
    %dma_start3A_92 = arith.constant 0 : i32
    %dma_start3A_93 = tpu.memref_slice %arg14[%dma_start3A_91, %dma_start3A_92] : memref<96x128xf32, #tpu.memory_space<vmem>> -> memref<92x128xf32, #tpu.memory_space<vmem>>
    %dma_start3A_94 = arith.constant 128 : i32
    %dma_start3A_95 = arith.constant 0 : i32
    %dma_start3A_96 = tpu.memref_slice %arg4[%add3A_90, %dma_start3A_94, %dma_start3A_95] : memref<1024x220x128xf32, #tpu.memory_space<hbm>> -> memref<1x92x128xf32, #tpu.memory_space<hbm>>
    %dma_start3A_97 = tpu.memref_squeeze %dma_start3A_96 : memref<1x92x128xf32, #tpu.memory_space<hbm>> -> memref<92x128xf32, #tpu.memory_space<hbm>>
    %dma_start3A_98 = arith.constant 128 : i32
    %dma_start3A_99 = arith.constant 0 : i32
    %dma_start3A_100 = tpu.memref_slice %arg4[%add3A_90, %dma_start3A_98, %dma_start3A_99] : memref<1024x220x128xf32, #tpu.memory_space<hbm>> -> memref<1x92x128xf32, #tpu.memory_space<hbm>>
    %dma_start3A_101 = tpu.memref_squeeze %dma_start3A_100 : memref<1x92x128xf32, #tpu.memory_space<hbm>> -> memref<92x128xf32, #tpu.memory_space<hbm>>
    %dma_start3A_102 = arith.constant 0 : i32
    %dma_start3A_103 = arith.constant 0 : i32
    %dma_start3A_104 = tpu.memref_slice %arg14[%dma_start3A_102, %dma_start3A_103] : memref<96x128xf32, #tpu.memory_space<vmem>> -> memref<92x128xf32, #tpu.memory_space<vmem>>
    tpu.enqueue_dma source(%dma_start3A_104 : memref<92x128xf32, #tpu.memory_space<vmem>>) target(%dma_start3A_101 : memref<92x128xf32, #tpu.memory_space<hbm>>) target_semaphore(%arg30 : memref<!tpu.dma_semaphore, #tpu.memory_space<semaphore_mem>>)
    %dma_wait3A_105 = arith.constant 0 : i32
    %dma_wait3A_106 = arith.constant 0 : i32
    %dma_wait3A_107 = tpu.memref_slice %arg2[%dma_wait3A_105, %dma_wait3A_106] : memref<100000x128xf32, #tpu.memory_space<hbm>> -> memref<100000x128xf32, #tpu.memory_space<hbm>>
    tpu.wait_indirect_dma semaphore(%arg23 : memref<!tpu.dma_semaphore, #tpu.memory_space<semaphore_mem>>) src(%dma_wait3A_107 : memref<100000x128xf32, #tpu.memory_space<hbm>>) dst(%arg15 : memref<128x128xf32, #tpu.memory_space<vmem>>)
    %add3A_108 = arith.constant 28 : i32
    %add3A_109 = arith.addi %mul3A_4, %add3A_108 : i32
    %add3A_110 = arith.constant 1 : i32
    %add3A_111 = arith.addi %add3A_109, %add3A_110 : i32
    %dma_start3A_112 = arith.constant 0 : i32
    %dma_start3A_113 = arith.constant 0 : i32
    %dma_start3A_114 = tpu.memref_slice %arg15[%dma_start3A_112, %dma_start3A_113] : memref<128x128xf32, #tpu.memory_space<vmem>> -> memref<128x128xf32, #tpu.memory_space<vmem>>
    %dma_start3A_115 = arith.constant 0 : i32
    %dma_start3A_116 = arith.constant 0 : i32
    %dma_start3A_117 = tpu.memref_slice %arg4[%add3A_111, %dma_start3A_115, %dma_start3A_116] : memref<1024x220x128xf32, #tpu.memory_space<hbm>> -> memref<1x128x128xf32, #tpu.memory_space<hbm>>
    %dma_start3A_118 = tpu.memref_squeeze %dma_start3A_117 : memref<1x128x128xf32, #tpu.memory_space<hbm>> -> memref<128x128xf32, #tpu.memory_space<hbm>>
    %dma_start3A_119 = arith.constant 0 : i32
    %dma_start3A_120 = arith.constant 0 : i32
    %dma_start3A_121 = tpu.memref_slice %arg4[%add3A_111, %dma_start3A_119, %dma_start3A_120] : memref<1024x220x128xf32, #tpu.memory_space<hbm>> -> memref<1x128x128xf32, #tpu.memory_space<hbm>>
    %dma_start3A_122 = tpu.memref_squeeze %dma_start3A_121 : memref<1x128x128xf32, #tpu.memory_space<hbm>> -> memref<128x128xf32, #tpu.memory_space<hbm>>
    %dma_start3A_123 = arith.constant 0 : i32
    %dma_start3A_124 = arith.constant 0 : i32
    %dma_start3A_125 = tpu.memref_slice %arg15[%dma_start3A_123, %dma_start3A_124] : memref<128x128xf32, #tpu.memory_space<vmem>> -> memref<128x128xf32, #tpu.memory_space<vmem>>
    tpu.enqueue_dma source(%dma_start3A_125 : memref<128x128xf32, #tpu.memory_space<vmem>>) target(%dma_start3A_122 : memref<128x128xf32, #tpu.memory_space<hbm>>) target_semaphore(%arg31 : memref<!tpu.dma_semaphore, #tpu.memory_space<semaphore_mem>>)
    %dma_wait3A_126 = arith.constant 0 : i32
    %dma_wait3A_127 = arith.constant 0 : i32
    %dma_wait3A_128 = tpu.memref_slice %arg2[%dma_wait3A_126, %dma_wait3A_127] : memref<100000x128xf32, #tpu.memory_space<hbm>> -> memref<100000x128xf32, #tpu.memory_space<hbm>>
    tpu.wait_indirect_dma semaphore(%arg24 : memref<!tpu.dma_semaphore, #tpu.memory_space<semaphore_mem>>) src(%dma_wait3A_128 : memref<100000x128xf32, #tpu.memory_space<hbm>>) dst(%arg16 : memref<96x128xf32, #tpu.memory_space<vmem>>)
    %add3A_129 = arith.constant 28 : i32
    %add3A_130 = arith.addi %mul3A_4, %add3A_129 : i32
    %add3A_131 = arith.constant 1 : i32
    %add3A_132 = arith.addi %add3A_130, %add3A_131 : i32
    %dma_start3A_133 = arith.constant 0 : i32
    %dma_start3A_134 = arith.constant 0 : i32
    %dma_start3A_135 = tpu.memref_slice %arg16[%dma_start3A_133, %dma_start3A_134] : memref<96x128xf32, #tpu.memory_space<vmem>> -> memref<92x128xf32, #tpu.memory_space<vmem>>
    %dma_start3A_136 = arith.constant 128 : i32
    %dma_start3A_137 = arith.constant 0 : i32
    %dma_start3A_138 = tpu.memref_slice %arg4[%add3A_132, %dma_start3A_136, %dma_start3A_137] : memref<1024x220x128xf32, #tpu.memory_space<hbm>> -> memref<1x92x128xf32, #tpu.memory_space<hbm>>
    %dma_start3A_139 = tpu.memref_squeeze %dma_start3A_138 : memref<1x92x128xf32, #tpu.memory_space<hbm>> -> memref<92x128xf32, #tpu.memory_space<hbm>>
    %dma_start3A_140 = arith.constant 128 : i32
    %dma_start3A_141 = arith.constant 0 : i32
    %dma_start3A_142 = tpu.memref_slice %arg4[%add3A_132, %dma_start3A_140, %dma_start3A_141] : memref<1024x220x128xf32, #tpu.memory_space<hbm>> -> memref<1x92x128xf32, #tpu.memory_space<hbm>>
    %dma_start3A_143 = tpu.memref_squeeze %dma_start3A_142 : memref<1x92x128xf32, #tpu.memory_space<hbm>> -> memref<92x128xf32, #tpu.memory_space<hbm>>
    %dma_start3A_144 = arith.constant 0 : i32
    %dma_start3A_145 = arith.constant 0 : i32
    %dma_start3A_146 = tpu.memref_slice %arg16[%dma_start3A_144, %dma_start3A_145] : memref<96x128xf32, #tpu.memory_space<vmem>> -> memref<92x128xf32, #tpu.memory_space<vmem>>
    tpu.enqueue_dma source(%dma_start3A_146 : memref<92x128xf32, #tpu.memory_space<vmem>>) target(%dma_start3A_143 : memref<92x128xf32, #tpu.memory_space<hbm>>) target_semaphore(%arg32 : memref<!tpu.dma_semaphore, #tpu.memory_space<semaphore_mem>>)
    %dma_wait3A_147 = arith.constant 0 : i32
    %dma_wait3A_148 = arith.constant 0 : i32
    %dma_wait3A_149 = tpu.memref_slice %arg2[%dma_wait3A_147, %dma_wait3A_148] : memref<100000x128xf32, #tpu.memory_space<hbm>> -> memref<100000x128xf32, #tpu.memory_space<hbm>>
    tpu.wait_indirect_dma semaphore(%arg25 : memref<!tpu.dma_semaphore, #tpu.memory_space<semaphore_mem>>) src(%dma_wait3A_149 : memref<100000x128xf32, #tpu.memory_space<hbm>>) dst(%arg17 : memref<128x128xf32, #tpu.memory_space<vmem>>)
    %add3A_150 = arith.constant 30 : i32
    %add3A_151 = arith.addi %mul3A_4, %add3A_150 : i32
    %add3A_152 = arith.constant 0 : i32
    %add3A_153 = arith.addi %add3A_151, %add3A_152 : i32
    %dma_start3A_154 = arith.constant 0 : i32
    %dma_start3A_155 = arith.constant 0 : i32
    %dma_start3A_156 = tpu.memref_slice %arg17[%dma_start3A_154, %dma_start3A_155] : memref<128x128xf32, #tpu.memory_space<vmem>> -> memref<128x128xf32, #tpu.memory_space<vmem>>
    %dma_start3A_157 = arith.constant 0 : i32
    %dma_start3A_158 = arith.constant 0 : i32
    %dma_start3A_159 = tpu.memref_slice %arg4[%add3A_153, %dma_start3A_157, %dma_start3A_158] : memref<1024x220x128xf32, #tpu.memory_space<hbm>> -> memref<1x128x128xf32, #tpu.memory_space<hbm>>
    %dma_start3A_160 = tpu.memref_squeeze %dma_start3A_159 : memref<1x128x128xf32, #tpu.memory_space<hbm>> -> memref<128x128xf32, #tpu.memory_space<hbm>>
    %dma_start3A_161 = arith.constant 0 : i32
    %dma_start3A_162 = arith.constant 0 : i32
    %dma_start3A_163 = tpu.memref_slice %arg4[%add3A_153, %dma_start3A_161, %dma_start3A_162] : memref<1024x220x128xf32, #tpu.memory_space<hbm>> -> memref<1x128x128xf32, #tpu.memory_space<hbm>>
    %dma_start3A_164 = tpu.memref_squeeze %dma_start3A_163 : memref<1x128x128xf32, #tpu.memory_space<hbm>> -> memref<128x128xf32, #tpu.memory_space<hbm>>
    %dma_start3A_165 = arith.constant 0 : i32
    %dma_start3A_166 = arith.constant 0 : i32
    %dma_start3A_167 = tpu.memref_slice %arg17[%dma_start3A_165, %dma_start3A_166] : memref<128x128xf32, #tpu.memory_space<vmem>> -> memref<128x128xf32, #tpu.memory_space<vmem>>
    tpu.enqueue_dma source(%dma_start3A_167 : memref<128x128xf32, #tpu.memory_space<vmem>>) target(%dma_start3A_164 : memref<128x128xf32, #tpu.memory_space<hbm>>) target_semaphore(%arg33 : memref<!tpu.dma_semaphore, #tpu.memory_space<semaphore_mem>>)
    %dma_wait3A_168 = arith.constant 0 : i32
    %dma_wait3A_169 = arith.constant 0 : i32
    %dma_wait3A_170 = tpu.memref_slice %arg2[%dma_wait3A_168, %dma_wait3A_169] : memref<100000x128xf32, #tpu.memory_space<hbm>> -> memref<100000x128xf32, #tpu.memory_space<hbm>>
    tpu.wait_indirect_dma semaphore(%arg26 : memref<!tpu.dma_semaphore, #tpu.memory_space<semaphore_mem>>) src(%dma_wait3A_170 : memref<100000x128xf32, #tpu.memory_space<hbm>>) dst(%arg18 : memref<96x128xf32, #tpu.memory_space<vmem>>)
    %add3A_171 = arith.constant 30 : i32
    %add3A_172 = arith.addi %mul3A_4, %add3A_171 : i32
    %add3A_173 = arith.constant 0 : i32
    %add3A_174 = arith.addi %add3A_172, %add3A_173 : i32
    %dma_start3A_175 = arith.constant 0 : i32
    %dma_start3A_176 = arith.constant 0 : i32
    %dma_start3A_177 = tpu.memref_slice %arg18[%dma_start3A_175, %dma_start3A_176] : memref<96x128xf32, #tpu.memory_space<vmem>> -> memref<92x128xf32, #tpu.memory_space<vmem>>
    %dma_start3A_178 = arith.constant 128 : i32
    %dma_start3A_179 = arith.constant 0 : i32
    %dma_start3A_180 = tpu.memref_slice %arg4[%add3A_174, %dma_start3A_178, %dma_start3A_179] : memref<1024x220x128xf32, #tpu.memory_space<hbm>> -> memref<1x92x128xf32, #tpu.memory_space<hbm>>
    %dma_start3A_181 = tpu.memref_squeeze %dma_start3A_180 : memref<1x92x128xf32, #tpu.memory_space<hbm>> -> memref<92x128xf32, #tpu.memory_space<hbm>>
    %dma_start3A_182 = arith.constant 128 : i32
    %dma_start3A_183 = arith.constant 0 : i32
    %dma_start3A_184 = tpu.memref_slice %arg4[%add3A_174, %dma_start3A_182, %dma_start3A_183] : memref<1024x220x128xf32, #tpu.memory_space<hbm>> -> memref<1x92x128xf32, #tpu.memory_space<hbm>>
    %dma_start3A_185 = tpu.memref_squeeze %dma_start3A_184 : memref<1x92x128xf32, #tpu.memory_space<hbm>> -> memref<92x128xf32, #tpu.memory_space<hbm>>
    %dma_start3A_186 = arith.constant 0 : i32
    %dma_start3A_187 = arith.constant 0 : i32
    %dma_start3A_188 = tpu.memref_slice %arg18[%dma_start3A_186, %dma_start3A_187] : memref<96x128xf32, #tpu.memory_space<vmem>> -> memref<92x128xf32, #tpu.memory_space<vmem>>
    tpu.enqueue_dma source(%dma_start3A_188 : memref<92x128xf32, #tpu.memory_space<vmem>>) target(%dma_start3A_185 : memref<92x128xf32, #tpu.memory_space<hbm>>) target_semaphore(%arg34 : memref<!tpu.dma_semaphore, #tpu.memory_space<semaphore_mem>>)
    %dma_wait3A_189 = arith.constant 0 : i32
    %dma_wait3A_190 = arith.constant 0 : i32
    %dma_wait3A_191 = tpu.memref_slice %arg2[%dma_wait3A_189, %dma_wait3A_190] : memref<100000x128xf32, #tpu.memory_space<hbm>> -> memref<100000x128xf32, #tpu.memory_space<hbm>>
    tpu.wait_indirect_dma semaphore(%arg27 : memref<!tpu.dma_semaphore, #tpu.memory_space<semaphore_mem>>) src(%dma_wait3A_191 : memref<100000x128xf32, #tpu.memory_space<hbm>>) dst(%arg19 : memref<128x128xf32, #tpu.memory_space<vmem>>)
    %add3A_192 = arith.constant 30 : i32
    %add3A_193 = arith.addi %mul3A_4, %add3A_192 : i32
    %add3A_194 = arith.constant 1 : i32
    %add3A_195 = arith.addi %add3A_193, %add3A_194 : i32
    %dma_start3A_196 = arith.constant 0 : i32
    %dma_start3A_197 = arith.constant 0 : i32
    %dma_start3A_198 = tpu.memref_slice %arg19[%dma_start3A_196, %dma_start3A_197] : memref<128x128xf32, #tpu.memory_space<vmem>> -> memref<128x128xf32, #tpu.memory_space<vmem>>
    %dma_start3A_199 = arith.constant 0 : i32
    %dma_start3A_200 = arith.constant 0 : i32
    %dma_start3A_201 = tpu.memref_slice %arg4[%add3A_195, %dma_start3A_199, %dma_start3A_200] : memref<1024x220x128xf32, #tpu.memory_space<hbm>> -> memref<1x128x128xf32, #tpu.memory_space<hbm>>
    %dma_start3A_202 = tpu.memref_squeeze %dma_start3A_201 : memref<1x128x128xf32, #tpu.memory_space<hbm>> -> memref<128x128xf32, #tpu.memory_space<hbm>>
    %dma_start3A_203 = arith.constant 0 : i32
    %dma_start3A_204 = arith.constant 0 : i32
    %dma_start3A_205 = tpu.memref_slice %arg4[%add3A_195, %dma_start3A_203, %dma_start3A_204] : memref<1024x220x128xf32, #tpu.memory_space<hbm>> -> memref<1x128x128xf32, #tpu.memory_space<hbm>>
    %dma_start3A_206 = tpu.memref_squeeze %dma_start3A_205 : memref<1x128x128xf32, #tpu.memory_space<hbm>> -> memref<128x128xf32, #tpu.memory_space<hbm>>
    %dma_start3A_207 = arith.constant 0 : i32
    %dma_start3A_208 = arith.constant 0 : i32
    %dma_start3A_209 = tpu.memref_slice %arg19[%dma_start3A_207, %dma_start3A_208] : memref<128x128xf32, #tpu.memory_space<vmem>> -> memref<128x128xf32, #tpu.memory_space<vmem>>
    tpu.enqueue_dma source(%dma_start3A_209 : memref<128x128xf32, #tpu.memory_space<vmem>>) target(%dma_start3A_206 : memref<128x128xf32, #tpu.memory_space<hbm>>) target_semaphore(%arg35 : memref<!tpu.dma_semaphore, #tpu.memory_space<semaphore_mem>>)
    %dma_wait3A_210 = arith.constant 0 : i32
    %dma_wait3A_211 = arith.constant 0 : i32
    %dma_wait3A_212 = tpu.memref_slice %arg2[%dma_wait3A_210, %dma_wait3A_211] : memref<100000x128xf32, #tpu.memory_space<hbm>> -> memref<100000x128xf32, #tpu.memory_space<hbm>>
    tpu.wait_indirect_dma semaphore(%arg28 : memref<!tpu.dma_semaphore, #tpu.memory_space<semaphore_mem>>) src(%dma_wait3A_212 : memref<100000x128xf32, #tpu.memory_space<hbm>>) dst(%arg20 : memref<96x128xf32, #tpu.memory_space<vmem>>)
    %add3A_213 = arith.constant 30 : i32
    %add3A_214 = arith.addi %mul3A_4, %add3A_213 : i32
    %add3A_215 = arith.constant 1 : i32
    %add3A_216 = arith.addi %add3A_214, %add3A_215 : i32
    %dma_start3A_217 = arith.constant 0 : i32
    %dma_start3A_218 = arith.constant 0 : i32
    %dma_start3A_219 = tpu.memref_slice %arg20[%dma_start3A_217, %dma_start3A_218] : memref<96x128xf32, #tpu.memory_space<vmem>> -> memref<92x128xf32, #tpu.memory_space<vmem>>
    %dma_start3A_220 = arith.constant 128 : i32
    %dma_start3A_221 = arith.constant 0 : i32
    %dma_start3A_222 = tpu.memref_slice %arg4[%add3A_216, %dma_start3A_220, %dma_start3A_221] : memref<1024x220x128xf32, #tpu.memory_space<hbm>> -> memref<1x92x128xf32, #tpu.memory_space<hbm>>
    %dma_start3A_223 = tpu.memref_squeeze %dma_start3A_222 : memref<1x92x128xf32, #tpu.memory_space<hbm>> -> memref<92x128xf32, #tpu.memory_space<hbm>>
    %dma_start3A_224 = arith.constant 128 : i32
    %dma_start3A_225 = arith.constant 0 : i32
    %dma_start3A_226 = tpu.memref_slice %arg4[%add3A_216, %dma_start3A_224, %dma_start3A_225] : memref<1024x220x128xf32, #tpu.memory_space<hbm>> -> memref<1x92x128xf32, #tpu.memory_space<hbm>>
    %dma_start3A_227 = tpu.memref_squeeze %dma_start3A_226 : memref<1x92x128xf32, #tpu.memory_space<hbm>> -> memref<92x128xf32, #tpu.memory_space<hbm>>
    %dma_start3A_228 = arith.constant 0 : i32
    %dma_start3A_229 = arith.constant 0 : i32
    %dma_start3A_230 = tpu.memref_slice %arg20[%dma_start3A_228, %dma_start3A_229] : memref<96x128xf32, #tpu.memory_space<vmem>> -> memref<92x128xf32, #tpu.memory_space<vmem>>
    tpu.enqueue_dma source(%dma_start3A_230 : memref<92x128xf32, #tpu.memory_space<vmem>>) target(%dma_start3A_227 : memref<92x128xf32, #tpu.memory_space<hbm>>) target_semaphore(%arg36 : memref<!tpu.dma_semaphore, #tpu.memory_space<semaphore_mem>>)
    %add3A_231 = arith.constant 28 : i32
    %add3A_232 = arith.addi %mul3A_4, %add3A_231 : i32
    %add3A_233 = arith.constant 0 : i32
    %add3A_234 = arith.addi %add3A_232, %add3A_233 : i32
    %dma_wait3A_235 = arith.constant 0 : i32
    %dma_wait3A_236 = arith.constant 0 : i32
    %dma_wait3A_237 = tpu.memref_slice %arg13[%dma_wait3A_235, %dma_wait3A_236] : memref<128x128xf32, #tpu.memory_space<vmem>> -> memref<128x128xf32, #tpu.memory_space<vmem>>
    %dma_wait3A_238 = arith.constant 0 : i32
    %dma_wait3A_239 = arith.constant 0 : i32
    %dma_wait3A_240 = tpu.memref_slice %arg4[%add3A_234, %dma_wait3A_238, %dma_wait3A_239] : memref<1024x220x128xf32, #tpu.memory_space<hbm>> -> memref<1x128x128xf32, #tpu.memory_space<hbm>>
    %dma_wait3A_241 = tpu.memref_squeeze %dma_wait3A_240 : memref<1x128x128xf32, #tpu.memory_space<hbm>> -> memref<128x128xf32, #tpu.memory_space<hbm>>
    %dma_wait3A_242 = arith.constant 0 : i32
    %dma_wait3A_243 = arith.constant 0 : i32
    %dma_wait3A_244 = tpu.memref_slice %arg4[%add3A_234, %dma_wait3A_242, %dma_wait3A_243] : memref<1024x220x128xf32, #tpu.memory_space<hbm>> -> memref<1x128x128xf32, #tpu.memory_space<hbm>>
    %dma_wait3A_245 = tpu.memref_squeeze %dma_wait3A_244 : memref<1x128x128xf32, #tpu.memory_space<hbm>> -> memref<128x128xf32, #tpu.memory_space<hbm>>
    %dma_wait3A_246 = arith.constant 0 : i32
    %dma_wait3A_247 = arith.constant 0 : i32
    %dma_wait3A_248 = tpu.memref_slice %arg13[%dma_wait3A_246, %dma_wait3A_247] : memref<128x128xf32, #tpu.memory_space<vmem>> -> memref<128x128xf32, #tpu.memory_space<vmem>>
    tpu.wait_dma2 semaphore(%arg29 : memref<!tpu.dma_semaphore, #tpu.memory_space<semaphore_mem>>) src(%dma_wait3A_248 : memref<128x128xf32, #tpu.memory_space<vmem>>) dst(%dma_wait3A_245 : memref<128x128xf32, #tpu.memory_space<hbm>>)
    %add3A_249 = arith.constant 28 : i32
    %add3A_250 = arith.addi %mul3A_4, %add3A_249 : i32
    %add3A_251 = arith.constant 0 : i32
    %add3A_252 = arith.addi %add3A_250, %add3A_251 : i32
    %dma_wait3A_253 = arith.constant 0 : i32
    %dma_wait3A_254 = arith.constant 0 : i32
    %dma_wait3A_255 = tpu.memref_slice %arg14[%dma_wait3A_253, %dma_wait3A_254] : memref<96x128xf32, #tpu.memory_space<vmem>> -> memref<92x128xf32, #tpu.memory_space<vmem>>
    %dma_wait3A_256 = arith.constant 128 : i32
    %dma_wait3A_257 = arith.constant 0 : i32
    %dma_wait3A_258 = tpu.memref_slice %arg4[%add3A_252, %dma_wait3A_256, %dma_wait3A_257] : memref<1024x220x128xf32, #tpu.memory_space<hbm>> -> memref<1x92x128xf32, #tpu.memory_space<hbm>>
    %dma_wait3A_259 = tpu.memref_squeeze %dma_wait3A_258 : memref<1x92x128xf32, #tpu.memory_space<hbm>> -> memref<92x128xf32, #tpu.memory_space<hbm>>
    %dma_wait3A_260 = arith.constant 128 : i32
    %dma_wait3A_261 = arith.constant 0 : i32
    %dma_wait3A_262 = tpu.memref_slice %arg4[%add3A_252, %dma_wait3A_260, %dma_wait3A_261] : memref<1024x220x128xf32, #tpu.memory_space<hbm>> -> memref<1x92x128xf32, #tpu.memory_space<hbm>>
    %dma_wait3A_263 = tpu.memref_squeeze %dma_wait3A_262 : memref<1x92x128xf32, #tpu.memory_space<hbm>> -> memref<92x128xf32, #tpu.memory_space<hbm>>
    %dma_wait3A_264 = arith.constant 0 : i32
    %dma_wait3A_265 = arith.constant 0 : i32
    %dma_wait3A_266 = tpu.memref_slice %arg14[%dma_wait3A_264, %dma_wait3A_265] : memref<96x128xf32, #tpu.memory_space<vmem>> -> memref<92x128xf32, #tpu.memory_space<vmem>>
    tpu.wait_dma2 semaphore(%arg30 : memref<!tpu.dma_semaphore, #tpu.memory_space<semaphore_mem>>) src(%dma_wait3A_266 : memref<92x128xf32, #tpu.memory_space<vmem>>) dst(%dma_wait3A_263 : memref<92x128xf32, #tpu.memory_space<hbm>>)
    %add3A_267 = arith.constant 28 : i32
    %add3A_268 = arith.addi %mul3A_4, %add3A_267 : i32
    %add3A_269 = arith.constant 1 : i32
    %add3A_270 = arith.addi %add3A_268, %add3A_269 : i32
    %dma_wait3A_271 = arith.constant 0 : i32
    %dma_wait3A_272 = arith.constant 0 : i32
    %dma_wait3A_273 = tpu.memref_slice %arg15[%dma_wait3A_271, %dma_wait3A_272] : memref<128x128xf32, #tpu.memory_space<vmem>> -> memref<128x128xf32, #tpu.memory_space<vmem>>
    %dma_wait3A_274 = arith.constant 0 : i32
    %dma_wait3A_275 = arith.constant 0 : i32
    %dma_wait3A_276 = tpu.memref_slice %arg4[%add3A_270, %dma_wait3A_274, %dma_wait3A_275] : memref<1024x220x128xf32, #tpu.memory_space<hbm>> -> memref<1x128x128xf32, #tpu.memory_space<hbm>>
    %dma_wait3A_277 = tpu.memref_squeeze %dma_wait3A_276 : memref<1x128x128xf32, #tpu.memory_space<hbm>> -> memref<128x128xf32, #tpu.memory_space<hbm>>
    %dma_wait3A_278 = arith.constant 0 : i32
    %dma_wait3A_279 = arith.constant 0 : i32
    %dma_wait3A_280 = tpu.memref_slice %arg4[%add3A_270, %dma_wait3A_278, %dma_wait3A_279] : memref<1024x220x128xf32, #tpu.memory_space<hbm>> -> memref<1x128x128xf32, #tpu.memory_space<hbm>>
    %dma_wait3A_281 = tpu.memref_squeeze %dma_wait3A_280 : memref<1x128x128xf32, #tpu.memory_space<hbm>> -> memref<128x128xf32, #tpu.memory_space<hbm>>
    %dma_wait3A_282 = arith.constant 0 : i32
    %dma_wait3A_283 = arith.constant 0 : i32
    %dma_wait3A_284 = tpu.memref_slice %arg15[%dma_wait3A_282, %dma_wait3A_283] : memref<128x128xf32, #tpu.memory_space<vmem>> -> memref<128x128xf32, #tpu.memory_space<vmem>>
    tpu.wait_dma2 semaphore(%arg31 : memref<!tpu.dma_semaphore, #tpu.memory_space<semaphore_mem>>) src(%dma_wait3A_284 : memref<128x128xf32, #tpu.memory_space<vmem>>) dst(%dma_wait3A_281 : memref<128x128xf32, #tpu.memory_space<hbm>>)
    %add3A_285 = arith.constant 28 : i32
    %add3A_286 = arith.addi %mul3A_4, %add3A_285 : i32
    %add3A_287 = arith.constant 1 : i32
    %add3A_288 = arith.addi %add3A_286, %add3A_287 : i32
    %dma_wait3A_289 = arith.constant 0 : i32
    %dma_wait3A_290 = arith.constant 0 : i32
    %dma_wait3A_291 = tpu.memref_slice %arg16[%dma_wait3A_289, %dma_wait3A_290] : memref<96x128xf32, #tpu.memory_space<vmem>> -> memref<92x128xf32, #tpu.memory_space<vmem>>
    %dma_wait3A_292 = arith.constant 128 : i32
    %dma_wait3A_293 = arith.constant 0 : i32
    %dma_wait3A_294 = tpu.memref_slice %arg4[%add3A_288, %dma_wait3A_292, %dma_wait3A_293] : memref<1024x220x128xf32, #tpu.memory_space<hbm>> -> memref<1x92x128xf32, #tpu.memory_space<hbm>>
    %dma_wait3A_295 = tpu.memref_squeeze %dma_wait3A_294 : memref<1x92x128xf32, #tpu.memory_space<hbm>> -> memref<92x128xf32, #tpu.memory_space<hbm>>
    %dma_wait3A_296 = arith.constant 128 : i32
    %dma_wait3A_297 = arith.constant 0 : i32
    %dma_wait3A_298 = tpu.memref_slice %arg4[%add3A_288, %dma_wait3A_296, %dma_wait3A_297] : memref<1024x220x128xf32, #tpu.memory_space<hbm>> -> memref<1x92x128xf32, #tpu.memory_space<hbm>>
    %dma_wait3A_299 = tpu.memref_squeeze %dma_wait3A_298 : memref<1x92x128xf32, #tpu.memory_space<hbm>> -> memref<92x128xf32, #tpu.memory_space<hbm>>
    %dma_wait3A_300 = arith.constant 0 : i32
    %dma_wait3A_301 = arith.constant 0 : i32
    %dma_wait3A_302 = tpu.memref_slice %arg16[%dma_wait3A_300, %dma_wait3A_301] : memref<96x128xf32, #tpu.memory_space<vmem>> -> memref<92x128xf32, #tpu.memory_space<vmem>>
    tpu.wait_dma2 semaphore(%arg32 : memref<!tpu.dma_semaphore, #tpu.memory_space<semaphore_mem>>) src(%dma_wait3A_302 : memref<92x128xf32, #tpu.memory_space<vmem>>) dst(%dma_wait3A_299 : memref<92x128xf32, #tpu.memory_space<hbm>>)
    %add3A_303 = arith.constant 30 : i32
    %add3A_304 = arith.addi %mul3A_4, %add3A_303 : i32
    %add3A_305 = arith.constant 0 : i32
    %add3A_306 = arith.addi %add3A_304, %add3A_305 : i32
    %dma_wait3A_307 = arith.constant 0 : i32
    %dma_wait3A_308 = arith.constant 0 : i32
    %dma_wait3A_309 = tpu.memref_slice %arg17[%dma_wait3A_307, %dma_wait3A_308] : memref<128x128xf32, #tpu.memory_space<vmem>> -> memref<128x128xf32, #tpu.memory_space<vmem>>
    %dma_wait3A_310 = arith.constant 0 : i32
    %dma_wait3A_311 = arith.constant 0 : i32
    %dma_wait3A_312 = tpu.memref_slice %arg4[%add3A_306, %dma_wait3A_310, %dma_wait3A_311] : memref<1024x220x128xf32, #tpu.memory_space<hbm>> -> memref<1x128x128xf32, #tpu.memory_space<hbm>>
    %dma_wait3A_313 = tpu.memref_squeeze %dma_wait3A_312 : memref<1x128x128xf32, #tpu.memory_space<hbm>> -> memref<128x128xf32, #tpu.memory_space<hbm>>
    %dma_wait3A_314 = arith.constant 0 : i32
    %dma_wait3A_315 = arith.constant 0 : i32
    %dma_wait3A_316 = tpu.memref_slice %arg4[%add3A_306, %dma_wait3A_314, %dma_wait3A_315] : memref<1024x220x128xf32, #tpu.memory_space<hbm>> -> memref<1x128x128xf32, #tpu.memory_space<hbm>>
    %dma_wait3A_317 = tpu.memref_squeeze %dma_wait3A_316 : memref<1x128x128xf32, #tpu.memory_space<hbm>> -> memref<128x128xf32, #tpu.memory_space<hbm>>
    %dma_wait3A_318 = arith.constant 0 : i32
    %dma_wait3A_319 = arith.constant 0 : i32
    %dma_wait3A_320 = tpu.memref_slice %arg17[%dma_wait3A_318, %dma_wait3A_319] : memref<128x128xf32, #tpu.memory_space<vmem>> -> memref<128x128xf32, #tpu.memory_space<vmem>>
    tpu.wait_dma2 semaphore(%arg33 : memref<!tpu.dma_semaphore, #tpu.memory_space<semaphore_mem>>) src(%dma_wait3A_320 : memref<128x128xf32, #tpu.memory_space<vmem>>) dst(%dma_wait3A_317 : memref<128x128xf32, #tpu.memory_space<hbm>>)
    %add3A_321 = arith.constant 30 : i32
    %add3A_322 = arith.addi %mul3A_4, %add3A_321 : i32
    %add3A_323 = arith.constant 0 : i32
    %add3A_324 = arith.addi %add3A_322, %add3A_323 : i32
    %dma_wait3A_325 = arith.constant 0 : i32
    %dma_wait3A_326 = arith.constant 0 : i32
    %dma_wait3A_327 = tpu.memref_slice %arg18[%dma_wait3A_325, %dma_wait3A_326] : memref<96x128xf32, #tpu.memory_space<vmem>> -> memref<92x128xf32, #tpu.memory_space<vmem>>
    %dma_wait3A_328 = arith.constant 128 : i32
    %dma_wait3A_329 = arith.constant 0 : i32
    %dma_wait3A_330 = tpu.memref_slice %arg4[%add3A_324, %dma_wait3A_328, %dma_wait3A_329] : memref<1024x220x128xf32, #tpu.memory_space<hbm>> -> memref<1x92x128xf32, #tpu.memory_space<hbm>>
    %dma_wait3A_331 = tpu.memref_squeeze %dma_wait3A_330 : memref<1x92x128xf32, #tpu.memory_space<hbm>> -> memref<92x128xf32, #tpu.memory_space<hbm>>
    %dma_wait3A_332 = arith.constant 128 : i32
    %dma_wait3A_333 = arith.constant 0 : i32
    %dma_wait3A_334 = tpu.memref_slice %arg4[%add3A_324, %dma_wait3A_332, %dma_wait3A_333] : memref<1024x220x128xf32, #tpu.memory_space<hbm>> -> memref<1x92x128xf32, #tpu.memory_space<hbm>>
    %dma_wait3A_335 = tpu.memref_squeeze %dma_wait3A_334 : memref<1x92x128xf32, #tpu.memory_space<hbm>> -> memref<92x128xf32, #tpu.memory_space<hbm>>
    %dma_wait3A_336 = arith.constant 0 : i32
    %dma_wait3A_337 = arith.constant 0 : i32
    %dma_wait3A_338 = tpu.memref_slice %arg18[%dma_wait3A_336, %dma_wait3A_337] : memref<96x128xf32, #tpu.memory_space<vmem>> -> memref<92x128xf32, #tpu.memory_space<vmem>>
    tpu.wait_dma2 semaphore(%arg34 : memref<!tpu.dma_semaphore, #tpu.memory_space<semaphore_mem>>) src(%dma_wait3A_338 : memref<92x128xf32, #tpu.memory_space<vmem>>) dst(%dma_wait3A_335 : memref<92x128xf32, #tpu.memory_space<hbm>>)
    %add3A_339 = arith.constant 30 : i32
    %add3A_340 = arith.addi %mul3A_4, %add3A_339 : i32
    %add3A_341 = arith.constant 1 : i32
    %add3A_342 = arith.addi %add3A_340, %add3A_341 : i32
    %dma_wait3A_343 = arith.constant 0 : i32
    %dma_wait3A_344 = arith.constant 0 : i32
    %dma_wait3A_345 = tpu.memref_slice %arg19[%dma_wait3A_343, %dma_wait3A_344] : memref<128x128xf32, #tpu.memory_space<vmem>> -> memref<128x128xf32, #tpu.memory_space<vmem>>
    %dma_wait3A_346 = arith.constant 0 : i32
    %dma_wait3A_347 = arith.constant 0 : i32
    %dma_wait3A_348 = tpu.memref_slice %arg4[%add3A_342, %dma_wait3A_346, %dma_wait3A_347] : memref<1024x220x128xf32, #tpu.memory_space<hbm>> -> memref<1x128x128xf32, #tpu.memory_space<hbm>>
    %dma_wait3A_349 = tpu.memref_squeeze %dma_wait3A_348 : memref<1x128x128xf32, #tpu.memory_space<hbm>> -> memref<128x128xf32, #tpu.memory_space<hbm>>
    %dma_wait3A_350 = arith.constant 0 : i32
    %dma_wait3A_351 = arith.constant 0 : i32
    %dma_wait3A_352 = tpu.memref_slice %arg4[%add3A_342, %dma_wait3A_350, %dma_wait3A_351] : memref<1024x220x128xf32, #tpu.memory_space<hbm>> -> memref<1x128x128xf32, #tpu.memory_space<hbm>>
    %dma_wait3A_353 = tpu.memref_squeeze %dma_wait3A_352 : memref<1x128x128xf32, #tpu.memory_space<hbm>> -> memref<128x128xf32, #tpu.memory_space<hbm>>
    %dma_wait3A_354 = arith.constant 0 : i32
    %dma_wait3A_355 = arith.constant 0 : i32
    %dma_wait3A_356 = tpu.memref_slice %arg19[%dma_wait3A_354, %dma_wait3A_355] : memref<128x128xf32, #tpu.memory_space<vmem>> -> memref<128x128xf32, #tpu.memory_space<vmem>>
    tpu.wait_dma2 semaphore(%arg35 : memref<!tpu.dma_semaphore, #tpu.memory_space<semaphore_mem>>) src(%dma_wait3A_356 : memref<128x128xf32, #tpu.memory_space<vmem>>) dst(%dma_wait3A_353 : memref<128x128xf32, #tpu.memory_space<hbm>>)
    %add3A_357 = arith.constant 30 : i32
    %add3A_358 = arith.addi %mul3A_4, %add3A_357 : i32
    %add3A_359 = arith.constant 1 : i32
    %add3A_360 = arith.addi %add3A_358, %add3A_359 : i32
    %dma_wait3A_361 = arith.constant 0 : i32
    %dma_wait3A_362 = arith.constant 0 : i32
    %dma_wait3A_363 = tpu.memref_slice %arg20[%dma_wait3A_361, %dma_wait3A_362] : memref<96x128xf32, #tpu.memory_space<vmem>> -> memref<92x128xf32, #tpu.memory_space<vmem>>
    %dma_wait3A_364 = arith.constant 128 : i32
    %dma_wait3A_365 = arith.constant 0 : i32
    %dma_wait3A_366 = tpu.memref_slice %arg4[%add3A_360, %dma_wait3A_364, %dma_wait3A_365] : memref<1024x220x128xf32, #tpu.memory_space<hbm>> -> memref<1x92x128xf32, #tpu.memory_space<hbm>>
    %dma_wait3A_367 = tpu.memref_squeeze %dma_wait3A_366 : memref<1x92x128xf32, #tpu.memory_space<hbm>> -> memref<92x128xf32, #tpu.memory_space<hbm>>
    %dma_wait3A_368 = arith.constant 128 : i32
    %dma_wait3A_369 = arith.constant 0 : i32
    %dma_wait3A_370 = tpu.memref_slice %arg4[%add3A_360, %dma_wait3A_368, %dma_wait3A_369] : memref<1024x220x128xf32, #tpu.memory_space<hbm>> -> memref<1x92x128xf32, #tpu.memory_space<hbm>>
    %dma_wait3A_371 = tpu.memref_squeeze %dma_wait3A_370 : memref<1x92x128xf32, #tpu.memory_space<hbm>> -> memref<92x128xf32, #tpu.memory_space<hbm>>
    %dma_wait3A_372 = arith.constant 0 : i32
    %dma_wait3A_373 = arith.constant 0 : i32
    %dma_wait3A_374 = tpu.memref_slice %arg20[%dma_wait3A_372, %dma_wait3A_373] : memref<96x128xf32, #tpu.memory_space<vmem>> -> memref<92x128xf32, #tpu.memory_space<vmem>>
    tpu.wait_dma2 semaphore(%arg36 : memref<!tpu.dma_semaphore, #tpu.memory_space<semaphore_mem>>) src(%dma_wait3A_374 : memref<92x128xf32, #tpu.memory_space<vmem>>) dst(%dma_wait3A_371 : memref<92x128xf32, #tpu.memory_space<hbm>>)
    return
  }
}

module attributes {stable_mosaic.version = 14 : i64} {
  func.func @_fixup_body(%arg0: memref<1024x20xi32, #tpu.memory_space<vmem>>, %arg1: memref<1024x20xi32, #tpu.memory_space<vmem>>, %arg2: memref<1024x10xi32, #tpu.memory_space<vmem>>, %arg3: memref<1024x20xi32, #tpu.memory_space<vmem>>) attributes {dimension_semantics = [], scalar_prefetch = 0 : i64, scratch_operands = 0 : i64, tpu.core_type = #tpu.core_type<tc>} {
    %get3A = arith.constant 0 : index
    %get3A_0 = arith.constant 0 : index
    %get3A_1 = vector.load %arg0[%get3A, %get3A_0] : memref<1024x20xi32, #tpu.memory_space<vmem>>, vector<1024x20xi32>
    %get3A_2 = arith.constant 0 : index
    %get3A_3 = arith.constant 0 : index
    %get3A_4 = vector.load %arg1[%get3A_2, %get3A_3] : memref<1024x20xi32, #tpu.memory_space<vmem>>, vector<1024x20xi32>
    %broadcast_in_dim3A = arith.constant 0 : i32
    %broadcast_in_dim3A_5 = vector.broadcast %broadcast_in_dim3A : i32 to vector<1024x20xi32>
    %get3A_6 = arith.constant 0 : index
    %get3A_7 = arith.constant 0 : index
    %get3A_8 = vector.load %arg2[%get3A_6, %get3A_7] : memref<1024x10xi32, #tpu.memory_space<vmem>>, vector<1024x1xi32>
    %eq3A = arith.constant 0 : i32
    %eq3A_9 = vector.broadcast %eq3A : i32 to vector<1024x20xi32>
    %eq3A_10 = arith.cmpi eq, %get3A_4, %eq3A_9 : vector<1024x20xi32>
    %broadcast_in_dim3A_11 = vector.shape_cast %get3A_8 : vector<1024x1xi32> to vector<1024x1xi32>
    %broadcast_in_dim3A_12 = vector.broadcast %broadcast_in_dim3A_11 : vector<1024x1xi32> to vector<1024x20xi32>
    %select_n3A = arith.select %eq3A_10, %broadcast_in_dim3A_12, %broadcast_in_dim3A_5 : vector<1024x20xi1>, vector<1024x20xi32>
    %get3A_13 = arith.constant 0 : index
    %get3A_14 = arith.constant 1 : index
    %get3A_15 = vector.load %arg2[%get3A_13, %get3A_14] : memref<1024x10xi32, #tpu.memory_space<vmem>>, vector<1024x1xi32>
    %eq3A_16 = arith.constant 1 : i32
    %eq3A_17 = vector.broadcast %eq3A_16 : i32 to vector<1024x20xi32>
    %eq3A_18 = arith.cmpi eq, %get3A_4, %eq3A_17 : vector<1024x20xi32>
    %broadcast_in_dim3A_19 = vector.shape_cast %get3A_15 : vector<1024x1xi32> to vector<1024x1xi32>
    %broadcast_in_dim3A_20 = vector.broadcast %broadcast_in_dim3A_19 : vector<1024x1xi32> to vector<1024x20xi32>
    %select_n3A_21 = arith.select %eq3A_18, %broadcast_in_dim3A_20, %select_n3A : vector<1024x20xi1>, vector<1024x20xi32>
    %get3A_22 = arith.constant 0 : index
    %get3A_23 = arith.constant 2 : index
    %get3A_24 = vector.load %arg2[%get3A_22, %get3A_23] : memref<1024x10xi32, #tpu.memory_space<vmem>>, vector<1024x1xi32>
    %eq3A_25 = arith.constant 2 : i32
    %eq3A_26 = vector.broadcast %eq3A_25 : i32 to vector<1024x20xi32>
    %eq3A_27 = arith.cmpi eq, %get3A_4, %eq3A_26 : vector<1024x20xi32>
    %broadcast_in_dim3A_28 = vector.shape_cast %get3A_24 : vector<1024x1xi32> to vector<1024x1xi32>
    %broadcast_in_dim3A_29 = vector.broadcast %broadcast_in_dim3A_28 : vector<1024x1xi32> to vector<1024x20xi32>
    %select_n3A_30 = arith.select %eq3A_27, %broadcast_in_dim3A_29, %select_n3A_21 : vector<1024x20xi1>, vector<1024x20xi32>
    %get3A_31 = arith.constant 0 : index
    %get3A_32 = arith.constant 3 : index
    %get3A_33 = vector.load %arg2[%get3A_31, %get3A_32] : memref<1024x10xi32, #tpu.memory_space<vmem>>, vector<1024x1xi32>
    %eq3A_34 = arith.constant 3 : i32
    %eq3A_35 = vector.broadcast %eq3A_34 : i32 to vector<1024x20xi32>
    %eq3A_36 = arith.cmpi eq, %get3A_4, %eq3A_35 : vector<1024x20xi32>
    %broadcast_in_dim3A_37 = vector.shape_cast %get3A_33 : vector<1024x1xi32> to vector<1024x1xi32>
    %broadcast_in_dim3A_38 = vector.broadcast %broadcast_in_dim3A_37 : vector<1024x1xi32> to vector<1024x20xi32>
    %select_n3A_39 = arith.select %eq3A_36, %broadcast_in_dim3A_38, %select_n3A_30 : vector<1024x20xi1>, vector<1024x20xi32>
    %get3A_40 = arith.constant 0 : index
    %get3A_41 = arith.constant 4 : index
    %get3A_42 = vector.load %arg2[%get3A_40, %get3A_41] : memref<1024x10xi32, #tpu.memory_space<vmem>>, vector<1024x1xi32>
    %eq3A_43 = arith.constant 4 : i32
    %eq3A_44 = vector.broadcast %eq3A_43 : i32 to vector<1024x20xi32>
    %eq3A_45 = arith.cmpi eq, %get3A_4, %eq3A_44 : vector<1024x20xi32>
    %broadcast_in_dim3A_46 = vector.shape_cast %get3A_42 : vector<1024x1xi32> to vector<1024x1xi32>
    %broadcast_in_dim3A_47 = vector.broadcast %broadcast_in_dim3A_46 : vector<1024x1xi32> to vector<1024x20xi32>
    %select_n3A_48 = arith.select %eq3A_45, %broadcast_in_dim3A_47, %select_n3A_39 : vector<1024x20xi1>, vector<1024x20xi32>
    %get3A_49 = arith.constant 0 : index
    %get3A_50 = arith.constant 5 : index
    %get3A_51 = vector.load %arg2[%get3A_49, %get3A_50] : memref<1024x10xi32, #tpu.memory_space<vmem>>, vector<1024x1xi32>
    %eq3A_52 = arith.constant 5 : i32
    %eq3A_53 = vector.broadcast %eq3A_52 : i32 to vector<1024x20xi32>
    %eq3A_54 = arith.cmpi eq, %get3A_4, %eq3A_53 : vector<1024x20xi32>
    %broadcast_in_dim3A_55 = vector.shape_cast %get3A_51 : vector<1024x1xi32> to vector<1024x1xi32>
    %broadcast_in_dim3A_56 = vector.broadcast %broadcast_in_dim3A_55 : vector<1024x1xi32> to vector<1024x20xi32>
    %select_n3A_57 = arith.select %eq3A_54, %broadcast_in_dim3A_56, %select_n3A_48 : vector<1024x20xi1>, vector<1024x20xi32>
    %get3A_58 = arith.constant 0 : index
    %get3A_59 = arith.constant 6 : index
    %get3A_60 = vector.load %arg2[%get3A_58, %get3A_59] : memref<1024x10xi32, #tpu.memory_space<vmem>>, vector<1024x1xi32>
    %eq3A_61 = arith.constant 6 : i32
    %eq3A_62 = vector.broadcast %eq3A_61 : i32 to vector<1024x20xi32>
    %eq3A_63 = arith.cmpi eq, %get3A_4, %eq3A_62 : vector<1024x20xi32>
    %broadcast_in_dim3A_64 = vector.shape_cast %get3A_60 : vector<1024x1xi32> to vector<1024x1xi32>
    %broadcast_in_dim3A_65 = vector.broadcast %broadcast_in_dim3A_64 : vector<1024x1xi32> to vector<1024x20xi32>
    %select_n3A_66 = arith.select %eq3A_63, %broadcast_in_dim3A_65, %select_n3A_57 : vector<1024x20xi1>, vector<1024x20xi32>
    %get3A_67 = arith.constant 0 : index
    %get3A_68 = arith.constant 7 : index
    %get3A_69 = vector.load %arg2[%get3A_67, %get3A_68] : memref<1024x10xi32, #tpu.memory_space<vmem>>, vector<1024x1xi32>
    %eq3A_70 = arith.constant 7 : i32
    %eq3A_71 = vector.broadcast %eq3A_70 : i32 to vector<1024x20xi32>
    %eq3A_72 = arith.cmpi eq, %get3A_4, %eq3A_71 : vector<1024x20xi32>
    %broadcast_in_dim3A_73 = vector.shape_cast %get3A_69 : vector<1024x1xi32> to vector<1024x1xi32>
    %broadcast_in_dim3A_74 = vector.broadcast %broadcast_in_dim3A_73 : vector<1024x1xi32> to vector<1024x20xi32>
    %select_n3A_75 = arith.select %eq3A_72, %broadcast_in_dim3A_74, %select_n3A_66 : vector<1024x20xi1>, vector<1024x20xi32>
    %get3A_76 = arith.constant 0 : index
    %get3A_77 = arith.constant 8 : index
    %get3A_78 = vector.load %arg2[%get3A_76, %get3A_77] : memref<1024x10xi32, #tpu.memory_space<vmem>>, vector<1024x1xi32>
    %eq3A_79 = arith.constant 8 : i32
    %eq3A_80 = vector.broadcast %eq3A_79 : i32 to vector<1024x20xi32>
    %eq3A_81 = arith.cmpi eq, %get3A_4, %eq3A_80 : vector<1024x20xi32>
    %broadcast_in_dim3A_82 = vector.shape_cast %get3A_78 : vector<1024x1xi32> to vector<1024x1xi32>
    %broadcast_in_dim3A_83 = vector.broadcast %broadcast_in_dim3A_82 : vector<1024x1xi32> to vector<1024x20xi32>
    %select_n3A_84 = arith.select %eq3A_81, %broadcast_in_dim3A_83, %select_n3A_75 : vector<1024x20xi1>, vector<1024x20xi32>
    %get3A_85 = arith.constant 0 : index
    %get3A_86 = arith.constant 9 : index
    %get3A_87 = vector.load %arg2[%get3A_85, %get3A_86] : memref<1024x10xi32, #tpu.memory_space<vmem>>, vector<1024x1xi32>
    %eq3A_88 = arith.constant 9 : i32
    %eq3A_89 = vector.broadcast %eq3A_88 : i32 to vector<1024x20xi32>
    %eq3A_90 = arith.cmpi eq, %get3A_4, %eq3A_89 : vector<1024x20xi32>
    %broadcast_in_dim3A_91 = vector.shape_cast %get3A_87 : vector<1024x1xi32> to vector<1024x1xi32>
    %broadcast_in_dim3A_92 = vector.broadcast %broadcast_in_dim3A_91 : vector<1024x1xi32> to vector<1024x20xi32>
    %select_n3A_93 = arith.select %eq3A_90, %broadcast_in_dim3A_92, %select_n3A_84 : vector<1024x20xi1>, vector<1024x20xi32>
    %gt3A = arith.constant 0 : i32
    %gt3A_94 = vector.broadcast %gt3A : i32 to vector<1024x20xi32>
    %gt3A_95 = arith.cmpi sgt, %select_n3A_93, %gt3A_94 : vector<1024x20xi32>
    %select_n3A_96 = arith.select %gt3A_95, %select_n3A_93, %get3A_1 : vector<1024x20xi1>, vector<1024x20xi32>
    %swap3A = arith.constant 0 : index
    %swap3A_97 = arith.constant 0 : index
    %swap3A_98 = vector.load %arg3[%swap3A, %swap3A_97] : memref<1024x20xi32, #tpu.memory_space<vmem>>, vector<1024x20xi32>
    tpu.vector_store %arg3[%swap3A, %swap3A_97], %select_n3A_96 {strides = array<i32>} : memref<1024x20xi32, #tpu.memory_space<vmem>>, vector<1024x20xi32>,
    return
  }
}

module attributes {stable_mosaic.version = 14 : i64} {
  func.func @_transform_body(%arg0: i32, %arg1: memref<64x4096xf32, #tpu.memory_space<vmem>>, %arg2: memref<64x64xf32, #tpu.memory_space<vmem>>, %arg3: memref<2x64x128xf32, #tpu.memory_space<vmem>>, %arg4: memref<2x128xf32, #tpu.memory_space<vmem>>, %arg5: memref<4096x128xf32, #tpu.memory_space<vmem>>) attributes {dimension_semantics = [#tpu.dimension_semantics<arbitrary>], iteration_bounds = array<i64: 25>, scalar_prefetch = 0 : i64, scratch_operands = 0 : i64, tpu.core_type = #tpu.core_type<tc>, window_params = [{transform_indices = @transform_0, window_bounds = array<i64: 64, 4096>}, {pipeline_mode = #tpu.pipeline_mode<synchronous>, transform_indices = @transform_1, window_bounds = array<i64: 64, 64>}, {pipeline_mode = #tpu.pipeline_mode<synchronous>, transform_indices = @transform_2, window_bounds = array<i64: 2, 64, 128>}, {pipeline_mode = #tpu.pipeline_mode<synchronous>, transform_indices = @transform_3, window_bounds = array<i64: 2, 128>}, {transform_indices = @transform_4, window_bounds = array<i64: 4096, 128>}]} {
    %get3A = arith.constant 0 : index
    %get3A_0 = arith.constant 0 : index
    %get3A_1 = vector.load %arg1[%get3A, %get3A_0] : memref<64x4096xf32, #tpu.memory_space<vmem>>, vector<64x4096xf32>
    %get3A_2 = arith.constant 0 : index
    %get3A_3 = arith.constant 0 : index
    %get3A_4 = vector.load %arg2[%get3A_2, %get3A_3] : memref<64x64xf32, #tpu.memory_space<vmem>>, vector<64x64xf32>
    %dot_general3A = arith.constant dense<0.000000e+00> : vector<4096x64xf32>
    %dot_general3A_5 = tpu.matmul %get3A_1, %get3A_4, %dot_general3A {dimension_numbers = #tpu.dot_dimension_numbers<[0], [0], [1], [1], [0, 1, 1, 1], [], []>, transpose_lhs_hint = false} : vector<64x4096xf32>, vector<64x64xf32>, vector<4096x64xf32> -> vector<4096x64xf32>
    %get3A_6 = arith.constant 0 : index
    %get3A_7 = arith.constant 0 : index
    %get3A_8 = arith.constant 0 : index
    %get3A_9 = vector.load %arg3[%get3A_6, %get3A_7, %get3A_8] : memref<2x64x128xf32, #tpu.memory_space<vmem>>, vector<1x64x128xf32>
    %get3A_10 = vector.shape_cast %get3A_9 : vector<1x64x128xf32> to vector<64x128xf32>
    %dot_general3A_11 = arith.constant dense<0.000000e+00> : vector<4096x128xf32>
    %dot_general3A_12 = tpu.matmul %dot_general3A_5, %get3A_10, %dot_general3A_11 {dimension_numbers = #tpu.dot_dimension_numbers<[1], [0], [0], [1], [0, 0, 1, 1], [], []>, transpose_lhs_hint = false} : vector<4096x64xf32>, vector<64x128xf32>, vector<4096x128xf32> -> vector<4096x128xf32>
    %get3A_13 = arith.constant 0 : index
    %get3A_14 = arith.constant 0 : index
    %get3A_15 = vector.load %arg4[%get3A_13, %get3A_14] : memref<2x128xf32, #tpu.memory_space<vmem>>, vector<1x128xf32>
    %add3A = vector.broadcast %get3A_15 : vector<1x128xf32> to vector<4096x128xf32>
    %add3A_16 = arith.addf %dot_general3A_12, %add3A : vector<4096x128xf32>
    %slice3A = vector.extract_strided_slice %add3A_16 {offsets = [0, 0], sizes = [4096, 64], strides = [1, 1]} : vector<4096x128xf32> to vector<4096x64xf32>
    %logistic3A = arith.negf %slice3A : vector<4096x64xf32>
    %logistic3A_17 = math.exp %logistic3A : vector<4096x64xf32>
    %logistic3A_18 = arith.constant 1.000000e+00 : f32
    %logistic3A_19 = vector.broadcast %logistic3A_18 : f32 to vector<4096x64xf32>
    %logistic3A_20 = arith.addf %logistic3A_19, %logistic3A_17 : vector<4096x64xf32>
    %logistic3A_21 = arith.divf %logistic3A_19, %logistic3A_20 : vector<4096x64xf32>
    %slice3A_22 = vector.extract_strided_slice %add3A_16 {offsets = [0, 64], sizes = [4096, 64], strides = [1, 1]} : vector<4096x128xf32> to vector<4096x64xf32>
    %max3A = arith.constant 0.000000e+00 : f32
    %max3A_23 = vector.broadcast %max3A : f32 to vector<4096x64xf32>
    %max3A_24 = arith.maximumf %slice3A_22, %max3A_23 : vector<4096x64xf32>
    %mul3A = arith.mulf %logistic3A_21, %max3A_24 : vector<4096x64xf32>
    %sub3A = arith.constant 1.000000e+00 : f32
    %sub3A_25 = vector.broadcast %sub3A : f32 to vector<4096x64xf32>
    %sub3A_26 = arith.subf %sub3A_25, %logistic3A_21 : vector<4096x64xf32>
    %mul3A_27 = arith.mulf %sub3A_26, %dot_general3A_5 : vector<4096x64xf32>
    %add3A_28 = arith.addf %mul3A, %mul3A_27 : vector<4096x64xf32>
    %get3A_29 = arith.constant 1 : index
    %get3A_30 = arith.constant 0 : index
    %get3A_31 = arith.constant 0 : index
    %get3A_32 = vector.load %arg3[%get3A_29, %get3A_30, %get3A_31] : memref<2x64x128xf32, #tpu.memory_space<vmem>>, vector<1x64x128xf32>
    %get3A_33 = vector.shape_cast %get3A_32 : vector<1x64x128xf32> to vector<64x128xf32>
    %dot_general3A_34 = arith.constant dense<0.000000e+00> : vector<4096x128xf32>
    %dot_general3A_35 = tpu.matmul %add3A_28, %get3A_33, %dot_general3A_34 {dimension_numbers = #tpu.dot_dimension_numbers<[1], [0], [0], [1], [0, 0, 1, 1], [], []>, transpose_lhs_hint = false} : vector<4096x64xf32>, vector<64x128xf32>, vector<4096x128xf32> -> vector<4096x128xf32>
    %get3A_36 = arith.constant 1 : index
    %get3A_37 = arith.constant 0 : index
    %get3A_38 = vector.load %arg4[%get3A_36, %get3A_37] : memref<2x128xf32, #tpu.memory_space<vmem>>, vector<1x128xf32>
    %add3A_39 = vector.broadcast %get3A_38 : vector<1x128xf32> to vector<4096x128xf32>
    %add3A_40 = arith.addf %dot_general3A_35, %add3A_39 : vector<4096x128xf32>
    %slice3A_41 = vector.extract_strided_slice %add3A_40 {offsets = [0, 0], sizes = [4096, 64], strides = [1, 1]} : vector<4096x128xf32> to vector<4096x64xf32>
    %logistic3A_42 = arith.negf %slice3A_41 : vector<4096x64xf32>
    %logistic3A_43 = math.exp %logistic3A_42 : vector<4096x64xf32>
    %logistic3A_44 = arith.constant 1.000000e+00 : f32
    %logistic3A_45 = vector.broadcast %logistic3A_44 : f32 to vector<4096x64xf32>
    %logistic3A_46 = arith.addf %logistic3A_45, %logistic3A_43 : vector<4096x64xf32>
    %logistic3A_47 = arith.divf %logistic3A_45, %logistic3A_46 : vector<4096x64xf32>
    %slice3A_48 = vector.extract_strided_slice %add3A_40 {offsets = [0, 64], sizes = [4096, 64], strides = [1, 1]} : vector<4096x128xf32> to vector<4096x64xf32>
    %max3A_49 = arith.constant 0.000000e+00 : f32
    %max3A_50 = vector.broadcast %max3A_49 : f32 to vector<4096x64xf32>
    %max3A_51 = arith.maximumf %slice3A_48, %max3A_50 : vector<4096x64xf32>
    %mul3A_52 = arith.mulf %logistic3A_47, %max3A_51 : vector<4096x64xf32>
    %sub3A_53 = arith.constant 1.000000e+00 : f32
    %sub3A_54 = vector.broadcast %sub3A_53 : f32 to vector<4096x64xf32>
    %sub3A_55 = arith.subf %sub3A_54, %logistic3A_47 : vector<4096x64xf32>
    %mul3A_56 = arith.mulf %sub3A_55, %add3A_28 : vector<4096x64xf32>
    %add3A_57 = arith.addf %mul3A_52, %mul3A_56 : vector<4096x64xf32>
    %broadcast_in_dim3A = arith.constant 0.000000e+00 : f32
    %broadcast_in_dim3A_58 = vector.broadcast %broadcast_in_dim3A : f32 to vector<4096x64xf32>
    %concatenate3A = tpu.concatenate %add3A_57, %broadcast_in_dim3A_58 in 1 : vector<4096x64xf32>, vector<4096x64xf32> -> vector<4096x128xf32>
    %swap3A = arith.constant 0 : index
    %swap3A_59 = arith.constant 0 : index
    %swap3A_60 = vector.load %arg5[%swap3A, %swap3A_59] : memref<4096x128xf32, #tpu.memory_space<vmem>>, vector<4096x128xf32>
    tpu.vector_store %arg5[%swap3A, %swap3A_59], %concatenate3A {strides = array<i32>} : memref<4096x128xf32, #tpu.memory_space<vmem>>, vector<4096x128xf32>,
    return
  }
  func.func @transform_0(%arg0: i32) -> (i32, i32) {
    %c0_i32 = arith.constant 0 : i32
    %c0_i32_0 = arith.constant 0 : i32
    return %c0_i32, %arg0 : i32, i32
  }
  func.func @transform_1(%arg0: i32) -> (i32, i32) {
    %c0_i32 = arith.constant 0 : i32
    %c0_i32_0 = arith.constant 0 : i32
    %c0_i32_1 = arith.constant 0 : i32
    return %c0_i32, %c0_i32_0 : i32, i32
  }
  func.func @transform_2(%arg0: i32) -> (i32, i32, i32) {
    %c0_i32 = arith.constant 0 : i32
    %c0_i32_0 = arith.constant 0 : i32
    %c0_i32_1 = arith.constant 0 : i32
    %c0_i32_2 = arith.constant 0 : i32
    return %c0_i32, %c0_i32_0, %c0_i32_1 : i32, i32, i32
  }
  func.func @transform_3(%arg0: i32) -> (i32, i32) {
    %c0_i32 = arith.constant 0 : i32
    %c0_i32_0 = arith.constant 0 : i32
    %c0_i32_1 = arith.constant 0 : i32
    return %c0_i32, %c0_i32_0 : i32, i32
  }
  func.func @transform_4(%arg0: i32) -> (i32, i32) {
    %c0_i32 = arith.constant 0 : i32
    %c0_i32_0 = arith.constant 0 : i32
    return %arg0, %c0_i32 : i32, i32
  }
}

</mosaic_0001>

<sc_bundles>
// kernel: kernel.5.cloned.1.call-start
scs
__scs_entry_jumppad:
0x0: {  	(pc) =	sbr.rel $0x88, $3  }
0x1: {  	(tag) =	ssettag $0x0;
	lr =	simm.s32 $0x1  }
0x2: {  	[smem:$0x3F97] =	sst lr;
	_ =	strace $0xD0000000  }
0x3: {  	_ = 	snop  }
0x4: {  	_ = 	snop  }
0x5: {  	_ = 	snop  }
0x6: {  	_ = 	snop  }
0x7: {  	_ = 	snop  }
__scs_overlays_trampoline_lowered:
0x8: {  	[smem:$0x3FA6] =	sst s0  }
0x9: {  	[smem:$0x3FA7] =	sst s1  }
0xa: {  	[smem:$0x3FA8] =	sst s2  }
0xb: {  	[smem:$0x3FA9] =	sst s3  }
0xc: {  	[smem:$0x3FAA] =	sst s4  }
0xd: {  	[smem:$0x3FAB] =	sst s5  }
0xe: {  	[smem:$0x3FAC] =	sst s6  }
0xf: {  	[smem:$0x3FAD] =	sst s7  }
0x10: {  	[smem:$0x3FAE] =	sst s8  }
0x11: {  	[smem:$0x3FAF] =	sst s9;
	s0 =	simm.s32 @!p0 $0x0  }
0x12: {  	s1 =	sld [smem:$0x3F95];
	s0 =	simm.s32 @p0 $0x1  }
0x13: {  	[smem:$0x3FB0] =	sst s0;
	s0 =	simm.s32 @!p1 $0x0  }
0x14: {  	s2 =	sld [smem:$0x3F94];
	s0 =	simm.s32 @p1 $0x1  }
0x15: {  	[smem:$0x3FB1] =	sst s0;
	s0 =	simm.s32 @!p2 $0x0  }
0x16: {  	s3 =	sld [smem:$0x3FDB];
	s0 =	simm.s32 @p2 $0x1  }
0x17: {  	s4 =	simm.s32 $0x1BF5;
	[smem:$0x3FB3] =	sst s0  }
0x18: {  	s0 =	sld [smem:$0x3F96];
	_ =	swait.ge [sflag:s4], $0x0  }
0x19: {  	s7 =	sld [smem:$0x3F97]  }
0x1a: {  	s8 =	sadd.s32 $0xFFFFE003, lr  }
0x1b: {  	s9 =	sadd.s32 $0xFFFFFEF7, lr;
	s5 =	simm.s32 $0xFFFFFFFF;
	p2 =	slt.u32 s8, $0xFFFFF086  }
0x1c: {  	p1 =	slt.u32 s9, $0xF7A;
	s5 =	simm.s32 @!p2 $0x0  }
0x1d: {  	s5 =	simm.s32 @p1 $0x1;
	p0 =	seq.s32 s7, s2  }
0x1e: {  	s7 =	smul.u32 @!p0 $0xF7A, s2;
	p2 =	seq.s32 @!p0 s5, $0x0  }
0x1f: {  	s9 =	smul.u32 $0xF7A, s1;
	s8 =	simm.s32 @!p0 $0x1BF5;
	p2 =	por !p2, p0  }
0x20: {  	[sflag:s8] =	ssyncset.s32 @!p0 $0xFFFFF086;
	s6 =	sadd.s32 @!p0 s3, s7;
	s7 =	simm.s32 @!p0 $0x108  }
0x21: {  	s3 =	sadd.s32 s3, s9;
	s6 =	sadd.s32 @!p0 $0x88, s6;
	s7 =	simm.s32 @p2 $0x1082  }
0x22: {  	[simem:s7], [sflag:s8] =	dma.local @!p0 [hbm:s6], $0xF7A  }
0x23: {  	s9 =	sor.u32 $0xD0000000, s2;
	s6 =	simm.s32 $0x108;
	_ =	swait.ge @!p0 [sflag:s8], $0x0  }
0x24: {  	s3 =	sadd.s32 $0x88, s3;
	s6 =	simm.s32 @!p1 $0x1082;
	[sflag:s4] =	ssyncset.s32 $0xFFFFF086  }
0x25: {  	[simem:s6], [sflag:s4] =	dma.local [hbm:s3], $0xF7A  }
0x26: {  	[smem:$0x3F97] =	sst s1;
	(tag) =	ssettag s2;
	_ =	strace s9  }
0x27: {  	s1 =	sld [smem:$0x3FA7]  }
0x28: {  	s2 =	sld [smem:$0x3FA8]  }
0x29: {  	s4 =	sld [smem:$0x3FAA]  }
0x2a: {  	p0 =	seq.s32 s5, $0x0;
	s5 =	sld [smem:$0x3FAB]  }
0x2b: {  	s6 =	sld [smem:$0x3FAC]  }
0x2c: {  	s7 =	sld [smem:$0x3FAD]  }
0x2d: {  	s3 =	simm.s32 $0x108;
	s8 =	sld [smem:$0x3FAE]  }
0x2e: {  	s3 =	simm.s32 @!p0 $0x1082;
	s9 =	sld [smem:$0x3FAF]  }
0x2f: {  	lr =	sadd.s32 s0, s3;
	s0 =	sld [smem:$0x3FA6]  }
0x30: {  	s3 =	sld [smem:$0x3FA9]  }
0x31: {  	[smem:$0x3FB2] =	sst s10  }
0x32: {  	s10 =	sld [smem:$0x3FB0];
	_ =	sdelay $0x3  }
0x33: {  	p0 =	seq.s32 s10, $0x1;
	s10 =	sld [smem:$0x3FB2];
	_ =	sdelay $0x3  }
0x34: {  	[smem:$0x3FB2] =	sst s10  }
0x35: {  	s10 =	sld [smem:$0x3FB1];
	_ =	sdelay $0x3  }
0x36: {  	p1 =	seq.s32 s10, $0x1;
	s10 =	sld [smem:$0x3FB2];
	_ =	sdelay $0x3  }
0x37: {  	[smem:$0x3FB2] =	sst s10  }
0x38: {  	s10 =	sld [smem:$0x3FB3]  }
0x39: {  	_ = 	snop;
	(pc) =	sbr.ind lr, $3  }
0x3a: {  	_ = 	snop  }
0x3b: {  	_ = 	snop  }
0x3c: {  	p2 =	seq.s32 s10, $0x1;
	s10 =	sld [smem:$0x3FB2]  }
0x3d: {  	_ =	shalt  }
0x3e: {  	_ =	shalt  }
0x3f: {  	_ =	shalt  }
0x40: {  	_ =	shalt  }
0x41: {  	_ =	shalt  }
0x42: {  	_ =	shalt  }
0x43: {  	_ =	shalt  }
0x44: {  	_ =	shalt  }
0x45: {  	_ =	shalt  }
0x46: {  	_ =	shalt  }
0x47: {  	_ =	shalt  }
0x48: {  	_ =	shalt  }
0x49: {  	_ =	shalt  }
0x4a: {  	_ =	shalt  }
0x4b: {  	_ =	shalt  }
0x4c: {  	_ =	shalt  }
0x4d: {  	_ =	shalt  }
0x4e: {  	_ =	shalt  }
0x4f: {  	_ =	shalt  }
0x50: {  	_ =	shalt  }
0x51: {  	_ =	shalt  }
0x52: {  	_ =	shalt  }
0x53: {  	_ =	shalt  }
0x54: {  	_ =	shalt  }
0x55: {  	_ =	shalt  }
0x56: {  	_ =	shalt  }
0x57: {  	_ =	shalt  }
0x58: {  	_ =	shalt  }
0x59: {  	_ =	shalt  }
0x5a: {  	_ =	shalt  }
0x5b: {  	_ =	shalt  }
0x5c: {  	_ =	shalt  }
0x5d: {  	_ =	shalt  }
0x5e: {  	_ =	shalt  }
0x5f: {  	_ =	shalt  }
0x60: {  	_ =	shalt  }
0x61: {  	_ =	shalt  }
0x62: {  	_ =	shalt  }
0x63: {  	_ =	shalt  }
0x64: {  	_ =	shalt  }
0x65: {  	_ =	shalt  }
0x66: {  	_ =	shalt  }
0x67: {  	_ =	shalt  }
0x68: {  	_ =	shalt  }
0x69: {  	_ =	shalt  }
0x6a: {  	_ =	shalt  }
0x6b: {  	_ =	shalt  }
0x6c: {  	_ =	shalt  }
0x6d: {  	_ =	shalt  }
0x6e: {  	_ =	shalt  }
0x6f: {  	_ =	shalt  }
0x70: {  	_ =	shalt  }
0x71: {  	_ =	shalt  }
0x72: {  	_ =	shalt  }
0x73: {  	_ =	shalt  }
0x74: {  	_ =	shalt  }
0x75: {  	_ =	shalt  }
0x76: {  	_ =	shalt  }
0x77: {  	_ =	shalt  }
0x78: {  	_ =	shalt  }
0x79: {  	_ =	shalt  }
0x7a: {  	_ =	shalt  }
0x7b: {  	_ =	shalt  }
0x7c: {  	_ =	shalt  }
0x7d: {  	_ =	shalt  }
0x7e: {  	_ =	shalt  }
0x7f: {  	_ =	shalt  }
0x80: {  	_ =	shalt  }
0x81: {  	_ =	shalt  }
0x82: {  	_ =	shalt  }
0x83: {  	_ =	shalt  }
0x84: {  	_ =	shalt  }
0x85: {  	_ =	shalt  }
0x86: {  	_ =	shalt  }
0x87: {  	_ =	shalt  }
.Lfunc_end0:
.L_simem_size_0:
called_computation.1_lowered:
.L_overlay_start_0:
0x88: {  	s2 =	sld [smem:$0x3FD9]  }
0x89: {  	s3 =	sld [smem:$0x3FFE];
	_ =	sdelay $0x1  }
0x8a: {  	s1 =	srdreg.scid  }
0x8b: {  	s0 =	sand.u32 $0x1, s1  }
0x8c: {  	s17 =	sshll.u32 s0, $0xA;
	s2 =	sadd.s32 s3, s2  }
0x8d: {  	s2 =	sadd.s32 s2, s17  }
0x8e: {  	[smem:$0x3FBE] =	sst s2  }
0x8f: {  	_ = 	snop  }
0x90: {  	s2 =	sld [smem:$0x3FD0];
	(tm) =	ssettm $0x1  }
0x91: {  	s18 =	sld [smem:$0x3FFB];
	_ =	sdelay $0x3  }
0x92: {  	_ =	strace s18  }
0x93: {  	s3 =	sld [smem:$0x3FFC];
	_ =	sdelay $0x3  }
0x94: {  	_ =	strace s3  }
0x95: {  	s3 =	sld [smem:$0x3FFD];
	_ =	sdelay $0x3  }
0x96: {  	_ =	strace s3  }
0x97: {  	_ =	strace $0x8FFFFFFF  }
0x98: {  	s19 =	sld [smem:$0x3FDB];
	_ =	sdelay $0x1  }
0x99: {  	s4 =	simm.s32 $_scs_section_size  }
0x9a: {  	s5 =	simm.s32 $_size__tile_overlayer_lowered;
	s6 =	simm.s32 $_tile_overlayer_lowered  }
0x9b: {  	s22 =	simm.s32 $0x1BFF;
	s21 =	sshll.u32 s6, $0x1;
	s3 =	sadd.s32 s4, s19  }
0x9c: {  	s7 =	simm.s32 $0x0;
	s20 =	sshll.u32 s5, $0x1;
	s5 =	sadd.s32 s21, s3  }
0x9d: {  	[timem:s7], [sflag:s22] =	dma.local [hbm:s5], s20  }
0x9e: {  	_ =	swait.ge [sflag:s22], s20  }
0x9f: {  	s4 =	ssub.s32 $0x0, s20;
	[sflag:s22] =	ssyncset.done $0x0  }
0xa0: {  	[sflag:s22] =	ssyncadd.s32 s4;
	_ =	sdelay $0x1  }
0xa1: {  	s23 =	simm.s32 $0x1B8B  }
0xa2: {  	_ =	swait.ge [sflag:s23], $0x1  }
0xa3: {  	[sflag:s23] =	ssyncset.done $0x0  }
0xa4: {  	s25 =	simm.s32 $0x1B8E;
	s24 =	sld [smem:$0x3FFE];
	[sflag:s23] =	ssyncadd.s32 $0xFFFFFFFF  }
0xa5: {  	s26 =	simm.s32 $execute0_lowered;
	[smem:$0x3FD2] =	sst s25  }
0xa6: {  	s5 =	sshll.u32 s26, $0x1;
	_ =	strace $0x80000046;
	[dreg:$0x1] =	wrdreg $0xFFFFFFFF  }
0xa7: {  	s28 =	simm.s32 $_size_execute0_lowered;
	s3 =	sadd.s32 s3, s5;
	[dreg:$0x0] =	wrdreg $0x0  }
0xa8: {  	s5 =	sshll.u32 s28, $0x1;
	[dreg:$0x2] =	wrdreg s3  }
0xa9: {  	[dreg:$0x3] =	wrdreg s5  }
0xaa: {  	[dreg:$0x4] =	wrdreg $0xC0  }
0xab: {  	_ =	task [dreg:s7], $0x5FFFF  }
0xac: {  	[dreg:$0x1] =	wrdreg $0xFFFFFFFF  }
0xad: {  	[dreg:$0x0] =	wrdreg $0x60  }
0xae: {  	[dreg:$0x2] =	wrdreg s2  }
0xaf: {  	[dreg:$0x3] =	wrdreg s24  }
0xb0: {  	[dreg:$0x4] =	wrdreg $0x9  }
0xb1: {  	_ =	task.clear_ibuf [dreg:s7], $0x5FFFF;
	_ =	strace $0x90000046  }
0xb2: {  	s29 =	simm.s32 $0x9;
	_ =	strace $0x80000048  }
0xb3: {  	_ =	swait.ge [sflag:s29], $0x1  }
0xb4: {  	[sflag:s29] =	ssyncadd.s32 $0xFFFFFFFF  }
0xb5: {  	_ =	strace $0x90000048  }
0xb6: {  	_ =	sfence  }
0xb7: {  	s30 =	sld [smem:$0x0];
	_ =	sdelay $0x2  }
0xb8: {  	s31 =	sshll.u32 s1, $0xD;
	s1 =	sshrl.u32 s1, $0x2  }
0xb9: {  	s3 =	sand.u32 $0x4000, s31;
	s1 =	sadd.s32 s1, s30  }
0xba: {  	s0 =	sor.u32 s3, s0;
	s1 =	sshll.u32 s1, $0x11  }
0xbb: {  	s0 =	sor.u32 s1, s0  }
0xbc: {  	s0 =	sadd.s32 $0x8F2B, s0  }
0xbd: {  	[sflag:s0] =	ssyncadd.remote.s32 $0x1  }
0xbe: {  	_ =	sfence.sel $0xFFFF  }
0xbf: {  	[dreg:$0x0] =	wrdreg $0xFFFFFFFF;
	(pc) =	sbr.abs _section_cstart, $3  }
0xc0: {  	[dreg:$0x1] =	wrdreg $0xFFFFFFFF  }
0xc1: {  	_ =	task.clear_ibuf [dreg:s7], $0x2FFFF;
	_ =	strace $0x9FFFFFFF  }
0xc2: {  	(tm) =	ssettm $0x7FFFFFFF  }
0xc3: {  	_ =	shalt  }
tec
execute0_lowered:
.L_overlay_start_1:
0x0: {  	(tag) =	ssettag $0x1  }
0x1: {  	s2 =	rddreg [dreg:$0x0];
	s0 =	srdreg.scid  }
0x2: {  	s10 =	stileid.u32;
	s1 =	rddreg [dreg:$0x1]  }
0x3: {  	s3 =	simm.s32 $0x0;
	s28 =	simm.s32 $0xF;
	s29 =	simm.s32 $0x10  }
0x4: {  	s4 =	sand.u32 $0x1, s0;
	s19 =	sshll.u32 s10, $0x1;
	s26 =	smul.u32 $0x3800, s10  }
0x5: {  	[smem:$0x7FF] =	sst s3;
	s10 =	smul.u32 $0x1C0000, s10;
	s5 =	sor.u32 s4, s19  }
0x6: {  	s7 =	sadd.s32 $0xA00, s1;
	s11 =	sadd.s32 $0x7A00, s1;
	s0 =	smul.u32 $0x1C00, s5  }
0x7: {  	_ =	strace $0x80000047;
	s6 =	ssub.s32 $0x2, s4;
	s31 =	smul.u32 $0x1C00, s4  }
0x8: {  	[dreg:$0x13] =	wrdreg s11;
	s8 =	sshrl.u32 s6, $0x1;
	s9 =	sshrl.u32 s0, $0x3  }
0x9: {  	s4 =	smul.u32 $0xE0000, s4;
	s0 =	ssub.s32 s6, s8;
	s20 =	sadd.s32 s7, s9  }
0xa: {  	s23 =	smul.u32 $0xE0000, s5;
	s0 =	smax.u32 s0, $0x1;
	[dreg:$0x14] =	wrdreg s20  }
0xb: {  	s5 =	sadd.s32 s31, s26;
	s21 =	sadd.s32 $0x10, s20;
	[smem:$0x7FD] =	sst s0  }
0xc: {  	s4 =	sadd.s32 s4, s10;
	s22 =	sadd.s32 $0x1C, s20;
	[dreg:$0x15] =	wrdreg s21  }
0xd: {  	s10 =	simm.s32 $0x180;
	s24 =	sadd.s32 $0x2C, s20;
	[dreg:$0x16] =	wrdreg s22  }
0xe: {  	s1 =	sshrl.u32 s23, $0x3;
	s25 =	sadd.s32 $0x38, s20;
	[dreg:$0x17] =	wrdreg s24  }
0xf: {  	s16 =	sadd.s32 $0x540, s5;
	s30 =	sadd.s32 $0x48, s20;
	[dreg:$0x18] =	wrdreg s25  }
0x10: {  	s18 =	sadd.s32 $0x6A0, s5;
	s9 =	sadd.s32 $0x54, s20;
	[dreg:$0x19] =	wrdreg s30  }
0x11: {  	s1 =	sadd.s32 s11, s1;
	s8 =	sadd.s32 $0x64, s20;
	[dreg:$0x1a] =	wrdreg s9  }
0x12: {  	s19 =	sadd.s32 $0x620, s5;
	s12 =	sadd.s32 $0x18800, s1;
	[dreg:$0x1b] =	wrdreg s8  }
0x13: {  	s23 =	sadd.s32 $0x5C0, s5;
	s13 =	sadd.s32 $0x19000, s1;
	[dreg:$0x1c] =	wrdreg s12  }
0x14: {  	s26 =	sadd.s32 $0x4E0, s5;
	s14 =	sadd.s32 $0x19600, s1;
	[dreg:$0x1d] =	wrdreg s13  }
0x15: {  	s6 =	sshrl.u32 s16, $0x3;
	s15 =	sadd.s32 $0x19E00, s1;
	[dreg:$0x1e] =	wrdreg s14  }
0x16: {  	s31 =	sshrl.u32 s26, $0x3;
	s17 =	sadd.s32 $0x1A400, s1;
	[dreg:$0x1f] =	wrdreg s15  }
0x17: {  	s11 =	sadd.s32 $0x460, s5;
	s6 =	sadd.s32 s6, s7;
	[smem:$0x7F9] =	sst s17  }
0x18: {  	s26 =	sadd.s32 $0x1B200, s1;
	s8 =	sshrl.u32 s18, $0x3;
	[dreg:$0x3] =	wrdreg s6  }
0x19: {  	s21 =	sshrl.u32 s19, $0x3;
	s24 =	sshrl.u32 s23, $0x3;
	s25 =	sor.u32 $0x380, s5  }
0x1a: {  	s9 =	sadd.s32 s31, s7;
	s12 =	sadd.s32 $0x1AC00, s1;
	s5 =	sadd.s32 $0x400, s5  }
0x1b: {  	s13 =	sor.u32 $0xE000, s4;
	s15 =	sor.u32 $0x12000, s4;
	s17 =	sor.u32 $0x15000, s4  }
0x1c: {  	s19 =	sor.u32 $0x19000, s4;
	s23 =	sor.u32 $0xB000, s4;
	[smem:$0x7FB] =	sst s26  }
0x1d: {  	s1 =	sadd.s32 $0x1BA00, s1;
	s31 =	sshrl.u32 s4, $0x3;
	[dreg:$0x8] =	wrdreg s9  }
0x1e: {  	s26 =	simm.s32 $0xE;
	s20 =	sadd.s32 s8, s7;
	[smem:$0x7FA] =	sst s12  }
0x1f: {  	s22 =	sadd.s32 s21, s7;
	s6 =	sadd.s32 s24, s7;
	[smem:$0x7FC] =	sst s1  }
0x20: {  	s8 =	sshrl.u32 s25, $0x3;
	s5 =	sshrl.u32 s5, $0x3;
	[dreg:$0x12] =	wrdreg s31  }
0x21: {  	s14 =	sshrl.u32 s13, $0x3;
	s16 =	sshrl.u32 s15, $0x3;
	[dreg:$0x4] =	wrdreg s20  }
0x22: {  	s18 =	sshrl.u32 s17, $0x3;
	s21 =	sor.u32 $0x7000, s4;
	[dreg:$0x5] =	wrdreg s22  }
0x23: {  	s24 =	sshrl.u32 s23, $0x3;
	s25 =	sor.u32 $0x4000, s4;
	[dreg:$0x6] =	wrdreg s6  }
0x24: {  	s23 =	simm.s32 $0x80;
	s12 =	simm.s32 $0x200;
	[dreg:$0xb] =	wrdreg s14  }
0x25: {  	s4 =	simm.s32 $0x8;
	s1 =	simm.s32 $0x0;
	[dreg:$0xc] =	wrdreg s16  }
0x26: {  	s30 =	sadd.s32 s8, s7;
	s6 =	sshrl.u32 s11, $0x3;
	[dreg:$0xd] =	wrdreg s18  }
0x27: {  	s5 =	sadd.s32 s5, s7;
	s20 =	sshrl.u32 s19, $0x3;
	[dreg:$0x10] =	wrdreg s24  }
0x28: {  	s22 =	sshrl.u32 s21, $0x3;
	s8 =	simm.s32 $0x100;
	[dreg:$0x7] =	wrdreg s30  }
0x29: {  	s14 =	simm.s32 $0x280;
	s16 =	simm.s32 $0x300;
	[dreg:$0xa] =	wrdreg s5  }
0x2a: {  	s21 =	simm.s32 $0x6;
	s24 =	simm.s32 $0xD;
	[dreg:$0xe] =	wrdreg s20  }
0x2b: {  	s6 =	sadd.s32 s6, s7;
	[dreg:$0xf] =	wrdreg s22;
	s30 =	sshrl.u32 s25, $0x3  }
0x2c: {  	s22 =	simm.s32 $0x11;
	s25 =	simm.s32 $0x60;
	[dreg:$0x9] =	wrdreg s6  }
0x2d: {  	s20 =	simm.s32 $0x5;
	s5 =	simm.s32 $0x7;
	[dreg:$0x11] =	wrdreg s30  }
.LBB2_1:
0x2e: {  	[smem:$0x7F8] =	sst s1  }
0x2f: {  	s0 =	rddreg [dreg:$0x14]  }
0x30: {  	[tilespmem:s3], [sflag:$0x11] =	stream.linear.gather [hbm4b:s0+s3], $0x80, $0x38;
	[tilespmem:$0x1C400] =	vst v63  }
0x31: {  	_ =	swait.ge [sflag:s22], $0x80  }
0x32: {  	[sflag:s22] =	ssyncset.done $0x0  }
0x33: {  	s6 =	simm.s32 $0x400;
	[sflag:s22] =	ssyncadd.s32 $0xFFFFFF80  }
0x34: {  	[tilespmem:s6], [sflag:$0x1] =	stream.indirect.gather [hbm4b:s2+s23], $0x80, s3, s23, $0xb8;
	[tilespmem:$0x1C400] =	vst v63  }
0x35: {  	s9 =	rddreg [dreg:$0x15]  }
0x36: {  	[tilespmem:s23], [sflag:$0x11] =	stream.linear.gather [hbm4b:s9+s3], $0x60, $0x38;
	[tilespmem:$0x1C400] =	vst v63  }
0x37: {  	_ =	swait.ge [sflag:s22], $0x60  }
0x38: {  	[sflag:s22] =	ssyncset.done $0x0  }
0x39: {  	s7 =	simm.s32 $0x4400;
	[sflag:s22] =	ssyncadd.s32 $0xFFFFFFA0  }
0x3a: {  	[tilespmem:s7], [sflag:$0x2] =	stream.indirect.gather [hbm4b:s2+s25], $0x80, s23, s25, $0xb8;
	[tilespmem:$0x1C400] =	vst v63  }
0x3b: {  	s11 =	rddreg [dreg:$0x16]  }
0x3c: {  	[tilespmem:s8], [sflag:$0x11] =	stream.linear.gather [hbm4b:s11+s3], $0x80, $0x38;
	[tilespmem:$0x1C400] =	vst v63  }
0x3d: {  	_ =	swait.ge [sflag:s22], $0x80  }
0x3e: {  	[sflag:s22] =	ssyncset.done $0x0  }
0x3f: {  	s9 =	simm.s32 $0x7400;
	[sflag:s22] =	ssyncadd.s32 $0xFFFFFF80  }
0x40: {  	[tilespmem:s9], [sflag:$0x3] =	stream.indirect.gather [hbm4b:s2+s23], $0x80, s8, s23, $0xb8;
	[tilespmem:$0x1C400] =	vst v63  }
0x41: {  	s13 =	rddreg [dreg:$0x17]  }
0x42: {  	[tilespmem:s10], [sflag:$0x11] =	stream.linear.gather [hbm4b:s13+s3], $0x60, $0x38;
	[tilespmem:$0x1C400] =	vst v63  }
0x43: {  	_ =	swait.ge [sflag:s22], $0x60  }
0x44: {  	[sflag:s22] =	ssyncset.done $0x0  }
0x45: {  	s11 =	simm.s32 $0xB400;
	[sflag:s22] =	ssyncadd.s32 $0xFFFFFFA0  }
0x46: {  	[tilespmem:s11], [sflag:$0x4] =	stream.indirect.gather [hbm4b:s2+s25], $0x80, s10, s25, $0xb8;
	[tilespmem:$0x1C400] =	vst v63  }
0x47: {  	s15 =	rddreg [dreg:$0x18]  }
0x48: {  	[tilespmem:s12], [sflag:$0x11] =	stream.linear.gather [hbm4b:s15+s3], $0x80, $0x38;
	[tilespmem:$0x1C400] =	vst v63  }
0x49: {  	_ =	swait.ge [sflag:s22], $0x80  }
0x4a: {  	[sflag:s22] =	ssyncset.done $0x0  }
0x4b: {  	s30 =	simm.s32 $0xE400;
	[sflag:s22] =	ssyncadd.s32 $0xFFFFFF80  }
0x4c: {  	[tilespmem:s30], [sflag:$0x5] =	stream.indirect.gather [hbm4b:s2+s23], $0x80, s12, s23, $0xb8;
	[tilespmem:$0x1C400] =	vst v63  }
0x4d: {  	s17 =	rddreg [dreg:$0x19]  }
0x4e: {  	[tilespmem:s14], [sflag:$0x11] =	stream.linear.gather [hbm4b:s17+s3], $0x60, $0x38;
	[tilespmem:$0x1C400] =	vst v63  }
0x4f: {  	_ =	swait.ge [sflag:s22], $0x60  }
0x50: {  	[sflag:s22] =	ssyncset.done $0x0  }
0x51: {  	s13 =	simm.s32 $0x12400;
	[sflag:s22] =	ssyncadd.s32 $0xFFFFFFA0  }
0x52: {  	[tilespmem:s13], [sflag:$0x6] =	stream.indirect.gather [hbm4b:s2+s25], $0x80, s14, s25, $0xb8;
	[tilespmem:$0x1C400] =	vst v63  }
0x53: {  	s18 =	rddreg [dreg:$0x1a]  }
0x54: {  	[tilespmem:s16], [sflag:$0x11] =	stream.linear.gather [hbm4b:s18+s3], $0x80, $0x38;
	[tilespmem:$0x1C400] =	vst v63  }
0x55: {  	_ =	swait.ge [sflag:s22], $0x80  }
0x56: {  	[sflag:s22] =	ssyncset.done $0x0  }
0x57: {  	s15 =	simm.s32 $0x15400;
	[sflag:s22] =	ssyncadd.s32 $0xFFFFFF80  }
0x58: {  	[tilespmem:s15], [sflag:$0x7] =	stream.indirect.gather [hbm4b:s2+s23], $0x80, s16, s23, $0xb8;
	[tilespmem:$0x1C400] =	vst v63  }
0x59: {  	s17 =	simm.s32 $0x380;
	s19 =	rddreg [dreg:$0x1b]  }
0x5a: {  	[tilespmem:s17], [sflag:$0x11] =	stream.linear.gather [hbm4b:s19+s3], $0x60, $0x38;
	[tilespmem:$0x1C400] =	vst v63  }
0x5b: {  	_ =	swait.ge [sflag:s22], $0x60  }
0x5c: {  	[sflag:s22] =	ssyncset.done $0x0  }
0x5d: {  	s1 =	simm.s32 $0x1;
	s18 =	simm.s32 $0x19400;
	[sflag:s22] =	ssyncadd.s32 $0xFFFFFFA0  }
0x5e: {  	[tilespmem:s18], [sflag:$0x8] =	stream.indirect.gather [hbm4b:s2+s25], $0x80, s17, s25, $0xb8;
	[tilespmem:$0x1C400] =	vst v63  }
0x5f: {  	_ =	swait.ge [sflag:s1], $0x4000  }
0x60: {  	s19 =	rddreg [dreg:$0x12]  }
0x61: {  	[sflag:s1] =	ssyncset.done $0x0;
	s0 =	rddreg [dreg:$0x13]  }
0x62: {  	[sflag:s1] =	ssyncadd.s32 $0xFFFFC000;
	s1 =	sadd.s32 s0, s19;
	s19 =	simm.s32 $0x2  }
0x63: {  	[hbm4b:s1+s3] =	stream.linear.scatter [tilespmem:s6], [sflag:$0x9], $0x4000, $0x38;
	[tilespmem:$0x1C400] =	vst v63  }
0x64: {  	_ =	swait.ge [sflag:s19], $0x3000  }
0x65: {  	s1 =	rddreg [dreg:$0x11];
	[sflag:s19] =	ssyncset.done $0x0  }
0x66: {  	[sflag:s19] =	ssyncadd.s32 $0xFFFFD000;
	s1 =	sadd.s32 s0, s1;
	s19 =	simm.s32 $0x3  }
0x67: {  	[hbm4b:s1+s3] =	stream.linear.scatter [tilespmem:s7], [sflag:$0xA], $0x2E00, $0x38;
	[tilespmem:$0x1C400] =	vst v63  }
0x68: {  	_ =	swait.ge [sflag:s19], $0x4000  }
0x69: {  	s1 =	rddreg [dreg:$0xf];
	[sflag:s19] =	ssyncset.done $0x0  }
0x6a: {  	[sflag:s19] =	ssyncadd.s32 $0xFFFFC000;
	s1 =	sadd.s32 s0, s1;
	s19 =	simm.s32 $0x4  }
0x6b: {  	[hbm4b:s1+s3] =	stream.linear.scatter [tilespmem:s9], [sflag:$0xB], $0x4000, $0x38;
	[tilespmem:$0x1C400] =	vst v63  }
0x6c: {  	_ =	swait.ge [sflag:s19], $0x3000  }
0x6d: {  	s1 =	rddreg [dreg:$0x10];
	[sflag:s19] =	ssyncset.done $0x0  }
0x6e: {  	[sflag:s19] =	ssyncadd.s32 $0xFFFFD000;
	s1 =	sadd.s32 s0, s1;
	s19 =	simm.s32 $0x9  }
0x6f: {  	[hbm4b:s1+s3] =	stream.linear.scatter [tilespmem:s11], [sflag:$0xC], $0x2E00, $0x38;
	[tilespmem:$0x1C400] =	vst v63  }
0x70: {  	_ =	swait.ge [sflag:s19], $0x4000  }
0x71: {  	s1 =	rddreg [dreg:$0x7];
	[sflag:s19] =	ssyncset.done $0x0  }
0x72: {  	[sflag:s19] =	ssyncadd.s32 $0xFFFFC000;
	s1 =	sadd.s32 $0x0, s1  }
0x73: {  	[tilespmem:s3], [sflag:$0x11] =	stream.linear.gather [hbm4b:s1+s3], $0x80, $0x38;
	[tilespmem:$0x1C400] =	vst v63  }
0x74: {  	_ =	swait.ge [sflag:s22], $0x80  }
0x75: {  	[sflag:s22] =	ssyncset.done $0x0  }
0x76: {  	s1 =	simm.s32 $0xA;
	[sflag:s22] =	ssyncadd.s32 $0xFFFFFF80  }
0x77: {  	[tilespmem:s6], [sflag:$0x1] =	stream.indirect.gather [hbm4b:s2+s23], $0x80, s3, s23, $0xb8;
	[tilespmem:$0x1C400] =	vst v63  }
0x78: {  	_ =	swait.ge [sflag:s1], $0x2E00  }
0x79: {  	s19 =	rddreg [dreg:$0xa];
	[sflag:s1] =	ssyncset.done $0x0  }
0x7a: {  	[sflag:s1] =	ssyncadd.s32 $0xFFFFD200;
	s1 =	sadd.s32 $0x0, s19  }
0x7b: {  	[tilespmem:s23], [sflag:$0x11] =	stream.linear.gather [hbm4b:s1+s3], $0x60, $0x38;
	[tilespmem:$0x1C400] =	vst v63  }
0x7c: {  	_ =	swait.ge [sflag:s22], $0x60  }
0x7d: {  	[sflag:s22] =	ssyncset.done $0x0  }
0x7e: {  	s1 =	simm.s32 $0xB;
	[sflag:s22] =	ssyncadd.s32 $0xFFFFFFA0  }
0x7f: {  	[tilespmem:s7], [sflag:$0x2] =	stream.indirect.gather [hbm4b:s2+s25], $0x80, s23, s25, $0xb8;
	[tilespmem:$0x1C400] =	vst v63  }
0x80: {  	_ =	swait.ge [sflag:s1], $0x4000  }
0x81: {  	s7 =	rddreg [dreg:$0x9];
	[sflag:s1] =	ssyncset.done $0x0  }
0x82: {  	[sflag:s1] =	ssyncadd.s32 $0xFFFFC000;
	s1 =	sadd.s32 $0x0, s7  }
0x83: {  	[tilespmem:s8], [sflag:$0x11] =	stream.linear.gather [hbm4b:s1+s3], $0x80, $0x38;
	[tilespmem:$0x1C400] =	vst v63  }
0x84: {  	_ =	swait.ge [sflag:s22], $0x80  }
0x85: {  	[sflag:s22] =	ssyncset.done $0x0  }
0x86: {  	[sflag:s22] =	ssyncadd.s32 $0xFFFFFF80  }
0x87: {  	[tilespmem:s9], [sflag:$0x3] =	stream.indirect.gather [hbm4b:s2+s23], $0x80, s8, s23, $0xb8;
	[tilespmem:$0x1C400] =	vst v63  }
0x88: {  	s9 =	simm.s32 $0xC  }
0x89: {  	_ =	swait.ge [sflag:s9], $0x2E00  }
0x8a: {  	s19 =	rddreg [dreg:$0x8];
	[sflag:s9] =	ssyncset.done $0x0  }
0x8b: {  	[sflag:s9] =	ssyncadd.s32 $0xFFFFD200;
	s1 =	sadd.s32 $0x0, s19  }
0x8c: {  	[tilespmem:s10], [sflag:$0x11] =	stream.linear.gather [hbm4b:s1+s3], $0x60, $0x38;
	[tilespmem:$0x1C400] =	vst v63  }
0x8d: {  	_ =	swait.ge [sflag:s22], $0x60  }
0x8e: {  	[sflag:s22] =	ssyncset.done $0x0  }
0x8f: {  	[sflag:s22] =	ssyncadd.s32 $0xFFFFFFA0  }
0x90: {  	[tilespmem:s11], [sflag:$0x4] =	stream.indirect.gather [hbm4b:s2+s25], $0x80, s10, s25, $0xb8;
	[tilespmem:$0x1C400] =	vst v63  }
0x91: {  	_ =	swait.ge [sflag:s20], $0x4000  }
0x92: {  	s7 =	rddreg [dreg:$0xb];
	[sflag:s20] =	ssyncset.done $0x0  }
0x93: {  	[sflag:s20] =	ssyncadd.s32 $0xFFFFC000;
	s1 =	sadd.s32 s0, s7  }
0x94: {  	[hbm4b:s1+s3] =	stream.linear.scatter [tilespmem:s30], [sflag:$0xD], $0x4000, $0x38;
	[tilespmem:$0x1C400] =	vst v63  }
0x95: {  	_ =	swait.ge [sflag:s21], $0x3000  }
0x96: {  	s8 =	rddreg [dreg:$0xc];
	[sflag:s21] =	ssyncset.done $0x0  }
0x97: {  	[sflag:s21] =	ssyncadd.s32 $0xFFFFD000;
	s1 =	sadd.s32 s0, s8  }
0x98: {  	[hbm4b:s1+s3] =	stream.linear.scatter [tilespmem:s13], [sflag:$0xE], $0x2E00, $0x38;
	[tilespmem:$0x1C400] =	vst v63  }
0x99: {  	_ =	swait.ge [sflag:s5], $0x4000  }
0x9a: {  	s9 =	rddreg [dreg:$0xd];
	[sflag:s5] =	ssyncset.done $0x0  }
0x9b: {  	[sflag:s5] =	ssyncadd.s32 $0xFFFFC000;
	s1 =	sadd.s32 s0, s9  }
0x9c: {  	[hbm4b:s1+s3] =	stream.linear.scatter [tilespmem:s15], [sflag:$0xF], $0x4000, $0x38;
	[tilespmem:$0x1C400] =	vst v63  }
0x9d: {  	_ =	swait.ge [sflag:s4], $0x3000  }
0x9e: {  	s10 =	rddreg [dreg:$0xe];
	[sflag:s4] =	ssyncset.done $0x0  }
0x9f: {  	[sflag:s4] =	ssyncadd.s32 $0xFFFFD000;
	s1 =	sadd.s32 s0, s10  }
0xa0: {  	[hbm4b:s1+s3] =	stream.linear.scatter [tilespmem:s18], [sflag:$0x10], $0x2E00, $0x38;
	[tilespmem:$0x1C400] =	vst v63  }
0xa1: {  	_ =	swait.ge [sflag:s24], $0x4000  }
0xa2: {  	s11 =	rddreg [dreg:$0x3];
	[sflag:s24] =	ssyncset.done $0x0  }
0xa3: {  	[sflag:s24] =	ssyncadd.s32 $0xFFFFC000;
	s1 =	sadd.s32 $0x0, s11  }
0xa4: {  	[tilespmem:s12], [sflag:$0x11] =	stream.linear.gather [hbm4b:s1+s3], $0x80, $0x38;
	[tilespmem:$0x1C400] =	vst v63  }
0xa5: {  	_ =	swait.ge [sflag:s22], $0x80  }
0xa6: {  	[sflag:s22] =	ssyncset.done $0x0  }
0xa7: {  	[sflag:s22] =	ssyncadd.s32 $0xFFFFFF80  }
0xa8: {  	[tilespmem:s30], [sflag:$0x5] =	stream.indirect.gather [hbm4b:s2+s23], $0x80, s12, s23, $0xb8;
	[tilespmem:$0x1C400] =	vst v63  }
0xa9: {  	_ =	swait.ge [sflag:s26], $0x2E00  }
0xaa: {  	s12 =	rddreg [dreg:$0x6];
	[sflag:s26] =	ssyncset.done $0x0  }
0xab: {  	[sflag:s26] =	ssyncadd.s32 $0xFFFFD200;
	s1 =	sadd.s32 $0x0, s12  }
0xac: {  	[tilespmem:s14], [sflag:$0x11] =	stream.linear.gather [hbm4b:s1+s3], $0x60, $0x38;
	[tilespmem:$0x1C400] =	vst v63  }
0xad: {  	_ =	swait.ge [sflag:s22], $0x60  }
0xae: {  	[sflag:s22] =	ssyncset.done $0x0  }
0xaf: {  	[sflag:s22] =	ssyncadd.s32 $0xFFFFFFA0  }
0xb0: {  	[tilespmem:s13], [sflag:$0x6] =	stream.indirect.gather [hbm4b:s2+s25], $0x80, s14, s25, $0xb8;
	[tilespmem:$0x1C400] =	vst v63  }
0xb1: {  	_ =	swait.ge [sflag:s28], $0x4000  }
0xb2: {  	s18 =	rddreg [dreg:$0x5];
	[sflag:s28] =	ssyncset.done $0x0  }
0xb3: {  	[sflag:s28] =	ssyncadd.s32 $0xFFFFC000;
	s1 =	sadd.s32 $0x0, s18  }
0xb4: {  	[tilespmem:s16], [sflag:$0x11] =	stream.linear.gather [hbm4b:s1+s3], $0x80, $0x38;
	[tilespmem:$0x1C400] =	vst v63  }
0xb5: {  	_ =	swait.ge [sflag:s22], $0x80  }
0xb6: {  	[sflag:s22] =	ssyncset.done $0x0  }
0xb7: {  	[sflag:s22] =	ssyncadd.s32 $0xFFFFFF80  }
0xb8: {  	[tilespmem:s15], [sflag:$0x7] =	stream.indirect.gather [hbm4b:s2+s23], $0x80, s16, s23, $0xb8;
	[tilespmem:$0x1C400] =	vst v63  }
0xb9: {  	_ =	swait.ge [sflag:s29], $0x2E00  }
0xba: {  	s19 =	rddreg [dreg:$0x4];
	[sflag:s29] =	ssyncset.done $0x0  }
0xbb: {  	[sflag:s29] =	ssyncadd.s32 $0xFFFFD200;
	s1 =	sadd.s32 $0x0, s19  }
0xbc: {  	[tilespmem:s17], [sflag:$0x11] =	stream.linear.gather [hbm4b:s1+s3], $0x60, $0x38;
	[tilespmem:$0x1C400] =	vst v63  }
0xbd: {  	_ =	swait.ge [sflag:s22], $0x60  }
0xbe: {  	[sflag:s22] =	ssyncset.done $0x0  }
0xbf: {  	s31 =	sadd.s32 $0x3800, s0;
	s30 =	simm.s32 $0x70;
	[sflag:s22] =	ssyncadd.s32 $0xFFFFFFA0  }
.LBB2_2:
0xc0: {  	s19 =	simm.s32 $0x380;
	s13 =	simm.s32 $0x19400;
	s6 =	simm.s32 $0x1  }
0xc1: {  	[tilespmem:s13], [sflag:$0x8] =	stream.indirect.gather [hbm4b:s2+s25], $0x80, s19, s25, $0xb8;
	[tilespmem:$0x1C400] =	vst v63  }
0xc2: {  	_ =	swait.ge [sflag:s6], $0x4000  }
0xc3: {  	s7 =	simm.s32 $0x400;
	s0 =	rddreg [dreg:$0x12];
	[sflag:s6] =	ssyncset.done $0x0  }
0xc4: {  	s10 =	simm.s32 $0x2;
	[sflag:s6] =	ssyncadd.s32 $0xFFFFC000;
	s0 =	sadd.s32 s31, s0  }
0xc5: {  	[hbm4b:s0+s3] =	stream.linear.scatter [tilespmem:s7], [sflag:$0x9], $0x4000, $0x38;
	[tilespmem:$0x1C400] =	vst v63  }
0xc6: {  	_ =	swait.ge [sflag:s10], $0x3000  }
0xc7: {  	s8 =	simm.s32 $0x4400;
	s11 =	rddreg [dreg:$0x11];
	[sflag:s10] =	ssyncset.done $0x0  }
0xc8: {  	s12 =	simm.s32 $0x3;
	[sflag:s10] =	ssyncadd.s32 $0xFFFFD000;
	s0 =	sadd.s32 s31, s11  }
0xc9: {  	[hbm4b:s0+s3] =	stream.linear.scatter [tilespmem:s8], [sflag:$0xA], $0x2E00, $0x38;
	[tilespmem:$0x1C400] =	vst v63  }
0xca: {  	_ =	swait.ge [sflag:s12], $0x4000  }
0xcb: {  	s15 =	simm.s32 $0x4;
	s14 =	rddreg [dreg:$0xf];
	[sflag:s12] =	ssyncset.done $0x0  }
0xcc: {  	s10 =	simm.s32 $0x7400;
	[sflag:s12] =	ssyncadd.s32 $0xFFFFC000;
	s0 =	sadd.s32 s31, s14  }
0xcd: {  	[hbm4b:s0+s3] =	stream.linear.scatter [tilespmem:s10], [sflag:$0xB], $0x4000, $0x38;
	[tilespmem:$0x1C400] =	vst v63  }
0xce: {  	_ =	swait.ge [sflag:s15], $0x3000  }
0xcf: {  	s17 =	simm.s32 $0x9;
	s16 =	rddreg [dreg:$0x10];
	[sflag:s15] =	ssyncset.done $0x0  }
0xd0: {  	s12 =	simm.s32 $0xB400;
	[sflag:s15] =	ssyncadd.s32 $0xFFFFD000;
	s0 =	sadd.s32 s31, s16  }
0xd1: {  	[hbm4b:s0+s3] =	stream.linear.scatter [tilespmem:s12], [sflag:$0xC], $0x2E00, $0x38;
	[tilespmem:$0x1C400] =	vst v63  }
0xd2: {  	_ =	swait.ge [sflag:s17], $0x4000  }
0xd3: {  	s1 =	smov.u32 s30;
	s18 =	rddreg [dreg:$0x7];
	[sflag:s17] =	ssyncset.done $0x0  }
0xd4: {  	[sflag:s17] =	ssyncadd.s32 $0xFFFFC000;
	s0 =	sadd.s32 s1, s18  }
0xd5: {  	[tilespmem:s3], [sflag:$0x11] =	stream.linear.gather [hbm4b:s0+s3], $0x80, $0x38;
	[tilespmem:$0x1C400] =	vst v63  }
0xd6: {  	_ =	swait.ge [sflag:s22], $0x80  }
0xd7: {  	[sflag:s22] =	ssyncset.done $0x0  }
0xd8: {  	s0 =	simm.s32 $0xA;
	[sflag:s22] =	ssyncadd.s32 $0xFFFFFF80  }
0xd9: {  	[tilespmem:s7], [sflag:$0x1] =	stream.indirect.gather [hbm4b:s2+s23], $0x80, s3, s23, $0xb8;
	[tilespmem:$0x1C400] =	vst v63  }
0xda: {  	_ =	swait.ge [sflag:s0], $0x2E00  }
0xdb: {  	s9 =	rddreg [dreg:$0xa];
	[sflag:s0] =	ssyncset.done $0x0  }
0xdc: {  	[sflag:s0] =	ssyncadd.s32 $0xFFFFD200;
	s0 =	sadd.s32 s1, s9  }
0xdd: {  	[tilespmem:s23], [sflag:$0x11] =	stream.linear.gather [hbm4b:s0+s3], $0x60, $0x38;
	[tilespmem:$0x1C400] =	vst v63  }
0xde: {  	_ =	swait.ge [sflag:s22], $0x60  }
0xdf: {  	[sflag:s22] =	ssyncset.done $0x0  }
0xe0: {  	s9 =	simm.s32 $0xB;
	[sflag:s22] =	ssyncadd.s32 $0xFFFFFFA0  }
0xe1: {  	[tilespmem:s8], [sflag:$0x2] =	stream.indirect.gather [hbm4b:s2+s25], $0x80, s23, s25, $0xb8;
	[tilespmem:$0x1C400] =	vst v63  }
0xe2: {  	_ =	swait.ge [sflag:s9], $0x4000  }
0xe3: {  	s11 =	rddreg [dreg:$0x9];
	[sflag:s9] =	ssyncset.done $0x0  }
0xe4: {  	s8 =	simm.s32 $0x100;
	[sflag:s9] =	ssyncadd.s32 $0xFFFFC000;
	s0 =	sadd.s32 s1, s11  }
0xe5: {  	[tilespmem:s8], [sflag:$0x11] =	stream.linear.gather [hbm4b:s0+s3], $0x80, $0x38;
	[tilespmem:$0x1C400] =	vst v63  }
0xe6: {  	_ =	swait.ge [sflag:s22], $0x80  }
0xe7: {  	[sflag:s22] =	ssyncset.done $0x0  }
0xe8: {  	s11 =	simm.s32 $0xC;
	[sflag:s22] =	ssyncadd.s32 $0xFFFFFF80  }
0xe9: {  	[tilespmem:s10], [sflag:$0x3] =	stream.indirect.gather [hbm4b:s2+s23], $0x80, s8, s23, $0xb8;
	[tilespmem:$0x1C400] =	vst v63  }
0xea: {  	_ =	swait.ge [sflag:s11], $0x2E00  }
0xeb: {  	s14 =	rddreg [dreg:$0x8];
	[sflag:s11] =	ssyncset.done $0x0  }
0xec: {  	s10 =	simm.s32 $0x180;
	[sflag:s11] =	ssyncadd.s32 $0xFFFFD200;
	s0 =	sadd.s32 s1, s14  }
0xed: {  	[tilespmem:s10], [sflag:$0x11] =	stream.linear.gather [hbm4b:s0+s3], $0x60, $0x38;
	[tilespmem:$0x1C400] =	vst v63  }
0xee: {  	_ =	swait.ge [sflag:s22], $0x60  }
0xef: {  	[sflag:s22] =	ssyncset.done $0x0  }
0xf0: {  	[sflag:s22] =	ssyncadd.s32 $0xFFFFFFA0  }
0xf1: {  	[tilespmem:s12], [sflag:$0x4] =	stream.indirect.gather [hbm4b:s2+s25], $0x80, s10, s25, $0xb8;
	[tilespmem:$0x1C400] =	vst v63  }
0xf2: {  	_ =	swait.ge [sflag:s20], $0x4000  }
0xf3: {  	s15 =	rddreg [dreg:$0xb];
	[sflag:s20] =	ssyncset.done $0x0  }
0xf4: {  	s14 =	simm.s32 $0xE400;
	[sflag:s20] =	ssyncadd.s32 $0xFFFFC000;
	s0 =	sadd.s32 s31, s15  }
0xf5: {  	[hbm4b:s0+s3] =	stream.linear.scatter [tilespmem:s14], [sflag:$0xD], $0x4000, $0x38;
	[tilespmem:$0x1C400] =	vst v63  }
0xf6: {  	_ =	swait.ge [sflag:s21], $0x3000  }
0xf7: {  	s16 =	rddreg [dreg:$0xc];
	[sflag:s21] =	ssyncset.done $0x0  }
0xf8: {  	[sflag:s21] =	ssyncadd.s32 $0xFFFFD000;
	s0 =	sadd.s32 s31, s16;
	s16 =	simm.s32 $0x12400  }
0xf9: {  	[hbm4b:s0+s3] =	stream.linear.scatter [tilespmem:s16], [sflag:$0xE], $0x2E00, $0x38;
	[tilespmem:$0x1C400] =	vst v63  }
0xfa: {  	_ =	swait.ge [sflag:s5], $0x4000  }
0xfb: {  	s17 =	rddreg [dreg:$0xd];
	[sflag:s5] =	ssyncset.done $0x0  }
0xfc: {  	[sflag:s5] =	ssyncadd.s32 $0xFFFFC000;
	s0 =	sadd.s32 s31, s17;
	s17 =	simm.s32 $0x15400  }
0xfd: {  	[hbm4b:s0+s3] =	stream.linear.scatter [tilespmem:s17], [sflag:$0xF], $0x4000, $0x38;
	[tilespmem:$0x1C400] =	vst v63  }
0xfe: {  	_ =	swait.ge [sflag:s4], $0x3000  }
0xff: {  	s18 =	rddreg [dreg:$0xe];
	[sflag:s4] =	ssyncset.done $0x0  }
0x100: {  	[sflag:s4] =	ssyncadd.s32 $0xFFFFD000;
	s0 =	sadd.s32 s31, s18  }
0x101: {  	[hbm4b:s0+s3] =	stream.linear.scatter [tilespmem:s13], [sflag:$0x10], $0x2E00, $0x38;
	[tilespmem:$0x1C400] =	vst v63  }
0x102: {  	_ =	swait.ge [sflag:s24], $0x4000  }
0x103: {  	s13 =	rddreg [dreg:$0x3];
	[sflag:s24] =	ssyncset.done $0x0  }
0x104: {  	s12 =	simm.s32 $0x200;
	[sflag:s24] =	ssyncadd.s32 $0xFFFFC000;
	s0 =	sadd.s32 s1, s13  }
0x105: {  	[tilespmem:s12], [sflag:$0x11] =	stream.linear.gather [hbm4b:s0+s3], $0x80, $0x38;
	[tilespmem:$0x1C400] =	vst v63  }
0x106: {  	_ =	swait.ge [sflag:s22], $0x80  }
0x107: {  	[sflag:s22] =	ssyncset.done $0x0  }
0x108: {  	[sflag:s22] =	ssyncadd.s32 $0xFFFFFF80  }
0x109: {  	[tilespmem:s14], [sflag:$0x5] =	stream.indirect.gather [hbm4b:s2+s23], $0x80, s12, s23, $0xb8;
	[tilespmem:$0x1C400] =	vst v63  }
0x10a: {  	_ =	swait.ge [sflag:s26], $0x2E00  }
0x10b: {  	s15 =	rddreg [dreg:$0x6];
	[sflag:s26] =	ssyncset.done $0x0  }
0x10c: {  	s14 =	simm.s32 $0x280;
	[sflag:s26] =	ssyncadd.s32 $0xFFFFD200;
	s0 =	sadd.s32 s1, s15  }
0x10d: {  	[tilespmem:s14], [sflag:$0x11] =	stream.linear.gather [hbm4b:s0+s3], $0x60, $0x38;
	[tilespmem:$0x1C400] =	vst v63  }
0x10e: {  	_ =	swait.ge [sflag:s22], $0x60  }
0x10f: {  	[sflag:s22] =	ssyncset.done $0x0  }
0x110: {  	[sflag:s22] =	ssyncadd.s32 $0xFFFFFFA0  }
0x111: {  	[tilespmem:s16], [sflag:$0x6] =	stream.indirect.gather [hbm4b:s2+s25], $0x80, s14, s25, $0xb8;
	[tilespmem:$0x1C400] =	vst v63  }
0x112: {  	_ =	swait.ge [sflag:s28], $0x4000  }
0x113: {  	s18 =	rddreg [dreg:$0x5];
	[sflag:s28] =	ssyncset.done $0x0  }
0x114: {  	s16 =	simm.s32 $0x300;
	[sflag:s28] =	ssyncadd.s32 $0xFFFFC000;
	s0 =	sadd.s32 s1, s18  }
0x115: {  	[tilespmem:s16], [sflag:$0x11] =	stream.linear.gather [hbm4b:s0+s3], $0x80, $0x38;
	[tilespmem:$0x1C400] =	vst v63  }
0x116: {  	_ =	swait.ge [sflag:s22], $0x80  }
0x117: {  	[sflag:s22] =	ssyncset.done $0x0  }
0x118: {  	p0 =	sne.s32 s30, $0x2A0;
	s30 =	sadd.s32 $0x70, s30;
	[sflag:s22] =	ssyncadd.s32 $0xFFFFFF80  }
0x119: {  	[tilespmem:s17], [sflag:$0x7] =	stream.indirect.gather [hbm4b:s2+s23], $0x80, s16, s23, $0xb8;
	[tilespmem:$0x1C400] =	vst v63  }
0x11a: {  	s6 =	simm.s32 $0x400;
	s7 =	simm.s32 $0x4400;
	_ =	swait.ge [sflag:s29], $0x2E00  }
0x11b: {  	s9 =	simm.s32 $0x7400;
	s17 =	rddreg [dreg:$0x4];
	[sflag:s29] =	ssyncset.done $0x0  }
.Ltmp0:
0x11c: {  	[sflag:s29] =	ssyncadd.s32 $0xFFFFD200;
	s0 =	sadd.s32 s1, s17;
	(pc) =	sbr.rel @p0 .LBB2_2-.Ltmp0, $4  }
0x11d: {  	[tilespmem:s19], [sflag:$0x11] =	stream.linear.gather [hbm4b:s0+s3], $0x60, $0x38;
	[tilespmem:$0x1C400] =	vst v63  }
0x11e: {  	s11 =	simm.s32 $0xB400;
	s31 =	sadd.s32 $0x3800, s31;
	_ =	swait.ge [sflag:s22], $0x60  }
0x11f: {  	s13 =	simm.s32 $0xE400;
	s15 =	simm.s32 $0x12400;
	[sflag:s22] =	ssyncset.done $0x0  }
0x120: {  	s18 =	simm.s32 $0x15400;
	s1 =	simm.s32 $0x380;
	[sflag:s22] =	ssyncadd.s32 $0xFFFFFFA0  }
0x121: {  	s17 =	simm.s32 $0x19400;
	s0 =	simm.s32 $0x1  }
0x122: {  	[tilespmem:s17], [sflag:$0x8] =	stream.indirect.gather [hbm4b:s2+s25], $0x80, s1, s25, $0xb8;
	[tilespmem:$0x1C400] =	vst v63  }
0x123: {  	_ =	swait.ge [sflag:s0], $0x4000  }
0x124: {  	[sflag:s0] =	ssyncset.done $0x0  }
0x125: {  	s1 =	rddreg [dreg:$0x1c];
	[sflag:s0] =	ssyncadd.s32 $0xFFFFC000  }
0x126: {  	[hbm4b:s1+s3] =	stream.linear.scatter [tilespmem:s6], [sflag:$0x9], $0x4000, $0x38;
	[tilespmem:$0x1C400] =	vst v63  }
0x127: {  	s6 =	simm.s32 $0x2  }
0x128: {  	_ =	swait.ge [sflag:s6], $0x3000  }
0x129: {  	[sflag:s6] =	ssyncset.done $0x0  }
0x12a: {  	s30 =	simm.s32 $0x3;
	s19 =	rddreg [dreg:$0x1d];
	[sflag:s6] =	ssyncadd.s32 $0xFFFFD000  }
0x12b: {  	[hbm4b:s19+s3] =	stream.linear.scatter [tilespmem:s7], [sflag:$0xA], $0x2E00, $0x38;
	[tilespmem:$0x1C400] =	vst v63  }
0x12c: {  	_ =	swait.ge [sflag:s30], $0x4000  }
0x12d: {  	[sflag:s30] =	ssyncset.done $0x0  }
0x12e: {  	s1 =	simm.s32 $0x4;
	s31 =	rddreg [dreg:$0x1e];
	[sflag:s30] =	ssyncadd.s32 $0xFFFFC000  }
0x12f: {  	[hbm4b:s31+s3] =	stream.linear.scatter [tilespmem:s9], [sflag:$0xB], $0x4000, $0x38;
	[tilespmem:$0x1C400] =	vst v63  }
0x130: {  	_ =	swait.ge [sflag:s1], $0x3000  }
0x131: {  	[sflag:s1] =	ssyncset.done $0x0  }
0x132: {  	s6 =	rddreg [dreg:$0x1f];
	[sflag:s1] =	ssyncadd.s32 $0xFFFFD000  }
0x133: {  	[hbm4b:s6+s3] =	stream.linear.scatter [tilespmem:s11], [sflag:$0xC], $0x2E00, $0x38;
	[tilespmem:$0x1C400] =	vst v63  }
0x134: {  	_ =	swait.ge [sflag:s20], $0x4000  }
0x135: {  	s7 =	sld [smem:$0x7F9]  }
0x136: {  	[sflag:s20] =	ssyncset.done $0x0  }
0x137: {  	[sflag:s20] =	ssyncadd.s32 $0xFFFFC000  }
0x138: {  	[hbm4b:s7+s3] =	stream.linear.scatter [tilespmem:s13], [sflag:$0xD], $0x4000, $0x38;
	[tilespmem:$0x1C400] =	vst v63  }
0x139: {  	_ =	swait.ge [sflag:s21], $0x3000  }
0x13a: {  	s9 =	sld [smem:$0x7FA]  }
0x13b: {  	[sflag:s21] =	ssyncset.done $0x0  }
0x13c: {  	[sflag:s21] =	ssyncadd.s32 $0xFFFFD000  }
0x13d: {  	[hbm4b:s9+s3] =	stream.linear.scatter [tilespmem:s15], [sflag:$0xE], $0x2E00, $0x38;
	[tilespmem:$0x1C400] =	vst v63  }
0x13e: {  	_ =	swait.ge [sflag:s5], $0x4000  }
0x13f: {  	s11 =	sld [smem:$0x7FB]  }
0x140: {  	[sflag:s5] =	ssyncset.done $0x0  }
0x141: {  	[sflag:s5] =	ssyncadd.s32 $0xFFFFC000  }
0x142: {  	[hbm4b:s11+s3] =	stream.linear.scatter [tilespmem:s18], [sflag:$0xF], $0x4000, $0x38;
	[tilespmem:$0x1C400] =	vst v63  }
0x143: {  	_ =	swait.ge [sflag:s4], $0x3000  }
0x144: {  	s13 =	sld [smem:$0x7FC]  }
0x145: {  	[sflag:s4] =	ssyncset.done $0x0  }
0x146: {  	s15 =	simm.s32 $0x9;
	[sflag:s4] =	ssyncadd.s32 $0xFFFFD000  }
0x147: {  	[hbm4b:s13+s3] =	stream.linear.scatter [tilespmem:s17], [sflag:$0x10], $0x2E00, $0x38;
	[tilespmem:$0x1C400] =	vst v63  }
0x148: {  	_ =	swait.ge [sflag:s15], $0x4000  }
0x149: {  	[sflag:s15] =	ssyncset.done $0x0  }
0x14a: {  	s17 =	simm.s32 $0xA;
	[sflag:s15] =	ssyncadd.s32 $0xFFFFC000  }
0x14b: {  	_ =	swait.ge [sflag:s17], $0x2E00  }
0x14c: {  	[sflag:s17] =	ssyncset.done $0x0  }
0x14d: {  	s18 =	simm.s32 $0xB;
	[sflag:s17] =	ssyncadd.s32 $0xFFFFD200  }
0x14e: {  	_ =	swait.ge [sflag:s18], $0x4000  }
0x14f: {  	[sflag:s18] =	ssyncset.done $0x0  }
0x150: {  	s19 =	simm.s32 $0xC;
	[sflag:s18] =	ssyncadd.s32 $0xFFFFC000  }
0x151: {  	_ =	swait.ge [sflag:s19], $0x2E00  }
0x152: {  	[sflag:s19] =	ssyncset.done $0x0  }
0x153: {  	[sflag:s19] =	ssyncadd.s32 $0xFFFFD200  }
0x154: {  	_ =	swait.ge [sflag:s24], $0x4000  }
0x155: {  	[sflag:s24] =	ssyncset.done $0x0  }
0x156: {  	[sflag:s24] =	ssyncadd.s32 $0xFFFFC000  }
0x157: {  	_ =	swait.ge [sflag:s26], $0x2E00  }
0x158: {  	[sflag:s26] =	ssyncset.done $0x0  }
0x159: {  	[sflag:s26] =	ssyncadd.s32 $0xFFFFD200  }
0x15a: {  	_ =	swait.ge [sflag:s28], $0x4000  }
0x15b: {  	[sflag:s28] =	ssyncset.done $0x0  }
0x15c: {  	[sflag:s28] =	ssyncadd.s32 $0xFFFFC000  }
0x15d: {  	_ =	swait.ge [sflag:s29], $0x2E00  }
0x15e: {  	s30 =	sld [smem:$0x7F8]  }
0x15f: {  	s31 =	sld [smem:$0x7FD];
	_ =	sdelay $0x1  }
0x160: {  	s1 =	sadd.s32 $0x1, s30  }
0x161: {  	p0 =	sne.s32 s1, s31  }
.Ltmp1:
0x162: {  	_ = 	snop;
	(pc) =	sbr.rel @p0 .LBB2_1-.Ltmp1, $3  }
0x163: {  	_ =	sdelay $0x1  }
0x164: {  	[sflag:s29] =	ssyncset.done $0x0  }
0x165: {  	[sflag:s29] =	ssyncadd.s32 $0xFFFFD200  }
0x166: {  	_ =	sfence.sel $0x180000  }
0x167: {  	[bflag:$0x0] =	sbarrier.arrive $0xFFFF  }
0x168: {  	_ =	strace $0x90000047  }
0x169: {  	s0 =	stileid.u32;
	[bflag:$0x2] =	sbarrier.arrive $0xFFFF  }
0x16a: {  	p0 =	sne.s32 s0, $0x0;
	s0 =	rddreg [dreg:$0x2]  }
0x16b: {  	s0 =	sadd.s32 @!p0 $0x100000, s0  }
0x16c: {  	[sflag:s0] =	ssyncadd.tile.s32 @!p0 $0x1;
	_ =	shalt  }
.Lfunc_end2:
_tile_overlayer_lowered:
.L_overlay_start_2:
0x16d: {  	(tag) =	ssettag $0x2  }
0x16e: {  	s0 =	rddreg [dreg:$0x0];
	s2 =	stileid.u32  }
0x16f: {  	s1 =	rddreg [dreg:$0x1];
	p0 =	sne.s32 s2, $0x0  }
0x170: {  	s3 =	rddreg [dreg:$0x2];
	[bflag:$0x3] =	sbarrier.arrive $0xFFFF;
	s2 =	simm.s32 @!p0 $0x1C11  }
0x171: {  	[timem:s3], [sflag:s2] =	dma.local @!p0 [hbm:s0], s1  }
0x172: {  	s0 =	simm.s32 @!p0 $0x11  }
0x173: {  	_ =	swait.ge @!p0 [sflag:s0], s1  }
0x174: {  	s1 =	ssub.s32 @!p0 $0x0, s1;
	[sflag:s0] =	ssyncset.done @!p0 $0x0  }
0x175: {  	[sflag:s0] =	ssyncadd.s32 @!p0 s1  }
0x176: {  	[bflag:$0x3] =	sbarrier.arrive $0xFFFF  }
0x177: {  	_ =	shalt  }

// kernel: sparse-core-data-format-call.cloned.1.call-start
scs
called_computation_lowered:
.L_overlay_start_0:
0x0: {  	s2 =	sld [smem:$0x3FD9]  }
0x1: {  	s3 =	sld [smem:$0x3FFE];
	_ =	sdelay $0x1  }
0x2: {  	s1 =	srdreg.scid  }
0x3: {  	s0 =	sand.u32 $0x1, s1  }
0x4: {  	s18 =	sshll.u32 s0, $0xA;
	s2 =	sadd.s32 s3, s2  }
0x5: {  	s2 =	sadd.s32 s2, s18  }
0x6: {  	[smem:$0x3FBE] =	sst s2  }
0x7: {  	_ = 	snop  }
0x8: {  	s2 =	sld [smem:$0x3FD0];
	(tm) =	ssettm $0x1  }
0x9: {  	s19 =	sld [smem:$0x3FFB];
	_ =	sdelay $0x3  }
0xa: {  	_ =	strace s19  }
0xb: {  	s3 =	sld [smem:$0x3FFC];
	_ =	sdelay $0x3  }
0xc: {  	_ =	strace s3  }
0xd: {  	s3 =	sld [smem:$0x3FFD];
	_ =	sdelay $0x3  }
0xe: {  	_ =	strace s3  }
0xf: {  	_ =	strace $0x8FFFFFFF  }
0x10: {  	s20 =	sld [smem:$0x3FDB];
	_ =	sdelay $0x1  }
0x11: {  	s4 =	simm.s32 $_scs_section_size  }
0x12: {  	s5 =	simm.s32 $_size__tile_overlayer_lowered;
	s6 =	simm.s32 $_tile_overlayer_lowered  }
0x13: {  	s23 =	simm.s32 $0x1BFF;
	s22 =	sshll.u32 s6, $0x1;
	s3 =	sadd.s32 s4, s20  }
0x14: {  	s7 =	simm.s32 $0x0;
	s21 =	sshll.u32 s5, $0x1;
	s5 =	sadd.s32 s22, s3  }
0x15: {  	[timem:s7], [sflag:s23] =	dma.local [hbm:s5], s21  }
0x16: {  	_ =	swait.ge [sflag:s23], s21  }
0x17: {  	s4 =	ssub.s32 $0x0, s21;
	[sflag:s23] =	ssyncset.done $0x0  }
0x18: {  	[sflag:s23] =	ssyncadd.s32 s4;
	_ =	sdelay $0x1  }
0x19: {  	s24 =	simm.s32 $0x1B8B  }
0x1a: {  	_ =	swait.ge [sflag:s24], $0x1  }
0x1b: {  	[sflag:s24] =	ssyncset.done $0x0  }
0x1c: {  	s26 =	simm.s32 $0x1B8E;
	s25 =	sld [smem:$0x3FFE];
	[sflag:s24] =	ssyncadd.s32 $0xFFFFFFFF  }
0x1d: {  	s27 =	simm.s32 $execute0_lowered;
	[smem:$0x3FD2] =	sst s26  }
0x1e: {  	s5 =	sshll.u32 s27, $0x1;
	_ =	strace $0x80000049;
	[dreg:$0x1] =	wrdreg $0xFFFFFFFF  }
0x1f: {  	s28 =	simm.s32 $_size_execute0_lowered;
	s3 =	sadd.s32 s3, s5;
	[dreg:$0x0] =	wrdreg $0x0  }
0x20: {  	s5 =	sshll.u32 s28, $0x1;
	[dreg:$0x2] =	wrdreg s3  }
0x21: {  	[dreg:$0x3] =	wrdreg s5  }
0x22: {  	[dreg:$0x4] =	wrdreg $0xC0  }
0x23: {  	_ =	task [dreg:s7], $0x5FFFF  }
0x24: {  	[dreg:$0x1] =	wrdreg $0xFFFFFFFF  }
0x25: {  	[dreg:$0x0] =	wrdreg $0x60  }
0x26: {  	[dreg:$0x2] =	wrdreg s25  }
0x27: {  	[dreg:$0x3] =	wrdreg s2  }
0x28: {  	[dreg:$0x4] =	wrdreg $0x9  }
0x29: {  	_ =	task.clear_ibuf [dreg:s7], $0x5FFFF;
	_ =	strace $0x90000049  }
0x2a: {  	s29 =	simm.s32 $0x9;
	_ =	strace $0x8000004B  }
0x2b: {  	_ =	swait.ge [sflag:s29], $0x1  }
0x2c: {  	[sflag:s29] =	ssyncadd.s32 $0xFFFFFFFF  }
0x2d: {  	_ =	strace $0x9000004B  }
0x2e: {  	_ =	sfence  }
0x2f: {  	s30 =	sld [smem:$0x0];
	_ =	sdelay $0x2  }
0x30: {  	s31 =	sshll.u32 s1, $0xD;
	s1 =	sshrl.u32 s1, $0x2  }
0x31: {  	s3 =	sand.u32 $0x4000, s31;
	s1 =	sadd.s32 s1, s30  }
0x32: {  	s0 =	sor.u32 s3, s0;
	s1 =	sshll.u32 s1, $0x11  }
0x33: {  	s0 =	sor.u32 s1, s0  }
0x34: {  	s0 =	sadd.s32 $0x8F2B, s0  }
0x35: {  	[sflag:s0] =	ssyncadd.remote.s32 $0x1  }
0x36: {  	_ =	sfence.sel $0xFFFF  }
0x37: {  	[dreg:$0x0] =	wrdreg $0xFFFFFFFF;
	(pc) =	sbr.abs _section_cstart, $3  }
0x38: {  	[dreg:$0x1] =	wrdreg $0xFFFFFFFF  }
0x39: {  	_ =	task.clear_ibuf [dreg:s7], $0x2FFFF;
	_ =	strace $0x9FFFFFFF  }
0x3a: {  	(tm) =	ssettm $0x7FFFFFFF  }
0x3b: {  	_ =	shalt  }
tec
execute0_lowered:
.L_overlay_start_1:
0x0: {  	(tag) =	ssettag $0x1  }
0x1: {  	s0 =	stileid.u32;
	s6 =	rddreg [dreg:$0x0]  }
0x2: {  	s2 =	rddreg [dreg:$0x1];
	s5 =	srdreg.scid  }
0x3: {  	s31 =	simm.s32 $0x2;
	s13 =	simm.s32 $0x0;
	s1 =	sshll.u32 s0, $0x7  }
0x4: {  	s14 =	simm.s32 $0x0;
	s12 =	simm.s32 $0x0;
	s3 =	sand.u32 $0x380, s1  }
0x5: {  	s5 =	sshll.u32 s5, $0x4;
	s6 =	sadd.s32 $0x7A00, s6;
	s4 =	ssub.s32 $0x400, s3  }
0x6: {  	s1 =	rddreg [dreg:$0x2];
	_ =	strace $0x8000004A;
	s7 =	sand.u32 $0x380, s4  }
0x7: {  	s5 =	sand.u32 $0x10, s5;
	p0 =	sne.s32 s7, $0x0;
	s7 =	simm.s32 $0x1  }
.Ltmp0:
0x8: {  	s8 =	sshrl.u32 s4, $0xA;
	s7 =	simm.s32 @!p0 $0x0;
	(pc) =	sbr.rel .LBB1_1-.Ltmp0, $4  }
0x9: {  	s9 =	sor.u32 s0, s5;
	s4 =	simm.s32 $0x1;
	s30 =	sadd.s32 s7, s8  }
0xa: {  	s11 =	smov.u32 s3;
	[sflag:s4] =	ssyncpa.u1 $0x0;
	s5 =	smul.u32 $0x37, s30  }
0xb: {  	[sflag:s31] =	ssyncpa.u1 $0x0;
	p0 =	por $0x0, $0x0;
	s7 =	sshrl.u32 s9, $0x3  }
0xc: {  	s9 =	simm.s32 $0x2000;
	s10 =	smov.u32 s7;
	s8 =	sadd.s32 $0x1, s5  }
.LBB1_4:
0xd: {  	s17 =	sand.u32 $0x1F80, s14;
	s13 =	sshll.u32 s13, $0xD  }
0xe: {  	[tilespmem:s16+$0x810 ss:$0x81] =	vst.msk $0xffff, v2;
	s18 =	sshrl.u32 s14, $0x3;
	s31 =	sand.u32 $0x7, s14;
	s17 =	sadd.s32 s2, s17  }
0xf: {  	[tilespmem:s16+$0x1020 ss:$0x81] =	vst.msk $0xffff, v0;
	s18 =	sand.u32 $0xF, s18;
	s14 =	sshll.u32 s31, $0x12;
	s13 =	sadd.s32 s13, s17  }
0x10: {  	[tilespmem:s16+$0x0 ss:$0x81] =	vst.msk $0xffff, v1;
	s14 =	sor.u32 $0x400, s14;
	s13 =	sadd.s32 s18, s13  }
0x11: {  	[hbm4b:s13+s14] =	stream.strided.scatter [tilespmem:s15], [sflag:$0x2], $0x2000, s9, s14, $0x20;
	[tilespmem:$0x8080] =	vst v63  }
.LBB1_5:
0x12: {  	s15 =	sadd.s32 $0x4, s10  }
0x13: {  	s13 =	sadd.s32 $0x400, s11;
	s17 =	smov.u32 s11;
	p2 =	sgt.s32 s15, $0xDB  }
0x14: {  	s17 =	smov.u32 @p2 s13  }
0x15: {  	s15 =	smov.u32 @p2 s7;
	p2 =	sgt.s32 s17, $0x3FF  }
0x16: {  	s17 =	smov.u32 @p2 s3;
	p2 =	sne.s32 s12, s8  }
.Ltmp1:
0x17: {  	p1 =	slt.u32 s12, $0x2;
	(pc) =	sbr.rel @!p2 .LBB1_6-.Ltmp1, $4  }
0x18: {  	s16 =	simm.s32 @!p1 $0x2  }
0x19: {  	s14 =	smov.u32 s11;
	p0 =	por !p0, !p0;
	_ =	swait.ge @!p1 [sflag:s16], $0x2000  }
0x1a: {  	s13 =	smov.u32 s10;
	[sflag:s16] =	ssyncset.done @!p1 $0x0;
	s10 =	smov.u32 s15  }
0x1b: {  	s12 =	sadd.s32 $0x1, s12;
	[sflag:s16] =	ssyncadd.s32 @!p1 $0xFFFFE000;
	s11 =	smov.u32 s17  }
.LBB1_1:
0x1c: {  	p1 =	sge.u32 s12, s5  }
0x1d: {  	s15 =	sand.u32 @!p1 $0x1FFFFFF, s10  }
0x1e: {  	s16 =	smulhi.u32 @!p1 $0x2492493, s15;
	_ =	sdelay $0x1  }
0x1f: {  	s16 =	sshrl.u32 @!p1 s16, $0x1  }
0x20: {  	s16 =	smul.u32 @!p1 $0xE0, s16  }
0x21: {  	s17 =	sxor.u32 @!p1 $0xFFFFFFFF, s12;
	s18 =	smul.u32 @!p1 $0xE00, s11  }
0x22: {  	s31 =	sadd.s32 $0xFFFFFFFF, s12;
	s17 =	sshll.u32 @!p1 s17, $0xD;
	s15 =	ssub.s32 @!p1 s15, s16  }
0x23: {  	s16 =	sand.u32 @!p1 $0x2000, s17;
	s17 =	sadd.s32 @!p1 s6, s18;
	s15 =	sshll.u32 @!p1 s15, $0x4  }
0x24: {  	s18 =	simm.s32 @!p1 $0x7000;
	s15 =	sadd.s32 @!p1 s15, s17;
	s17 =	simm.s32 @!p1 $0x40  }
0x25: {  	[tilespmem:s16], [sflag:$0x1] =	stream.strided.gather @!p1 [hbm4b:s15+s17], $0x2000, s18, s17, $0x38;
	[tilespmem:$0x8080] =	vst v63  }
0x26: {  	p1 =	sge.u32 s31, s5  }
.Ltmp2:
0x27: {  	_ = 	snop;
	(pc) =	sbr.rel @p1 .LBB1_5-.Ltmp2, $1  }
0x28: {  	_ =	sdelay $0x3  }
0x29: {  	s15 =	simm.s32 $0x1  }
0x2a: {  	_ =	swait.ge [sflag:s4], $0x2000;
	s15 =	simm.s32 @!p0 $0x0  }
0x2b: {  	[sflag:s4] =	ssyncset.done $0x0;
	s16 =	sshll.u32 s15, $0xD  }
0x2c: {  	[sflag:s4] =	ssyncadd.s32 $0xFFFFE000;
	s19 =	sor.u32 $0x20, s16  }
0x2d: {  	s15 =	smul.u32 $0x8100, s15;
	v3 =	vld [tilespmem:s19+$0x10]  }
0x2e: {  	s30 =	sand.u32 $0x1, s12;
	v2 =	vld [tilespmem:s19+$0xFFFFFFF0]  }
0x2f: {  	s16 =	smul.u32 $0x8100, s30;
	s15 =	sshrl.u32 s15, $0x2;
	v0 =	vld [tilespmem:s19+$0x0]  }
0x30: {  	v1 =	vld [tilespmem:s19+$0xFFFFFFE0];
	s17 =	sor.u32 $0x4000, s15  }
0x31: {  	s31 =	sshrl.u32 s16, $0x2;
	s16 =	sadd.s32 $0x0, s17  }
0x32: {  	s18 =	simm.s32 $0x4;
	s19 =	sadd.s32 $0x40, s19;
	s15 =	sor.u32 $0x4000, s31;
	[tilespmem:s16+$0x1830 ss:$0x81] =	vst.msk $0xffff, v3  }
.LBB1_3:
0x33: {  	v3 =	vld [tilespmem:s19+$0x10];
	p1 =	sne.s32 s18, $0x1FC;
	[tilespmem:s16+$0x810 ss:$0x81] =	vst.msk $0xffff, v2;
	s20 =	smov.u32 s18;
	s18 =	sadd.s32 $0x4, s18  }
.Ltmp3:
0x34: {  	v2 =	vld [tilespmem:s19+$0xFFFFFFF0];
	[tilespmem:s16+$0x1020 ss:$0x81] =	vst.msk $0xffff, v0;
	(pc) =	sbr.rel @p1 .LBB1_3-.Ltmp3, $4  }
0x35: {  	v0 =	vld [tilespmem:s19+$0x0];
	[tilespmem:s16+$0x0 ss:$0x81] =	vst.msk $0xffff, v1  }
0x36: {  	s16 =	sshra.s32 s20, $0x2;
	v1 =	vld [tilespmem:s19+$0xFFFFFFE0]  }
0x37: {  	s16 =	sadd.s32 s16, s17  }
0x38: {  	s19 =	sadd.s32 $0x40, s19;
	[tilespmem:s16+$0x1830 ss:$0x81] =	vst.msk $0xffff, v3  }
.Ltmp4:
0x39: {  	_ = 	snop;
	(pc) =	sbr.rel .LBB1_4-.Ltmp4, $1  }
0x3a: {  	_ =	sdelay $0x3  }
.LBB1_6:
0x3b: {  	_ =	sfence.sel $0x180000  }
0x3c: {  	s2 =	simm.s32 $0x1;
	[bflag:$0x0] =	sbarrier.arrive $0xFFFF  }
0x3d: {  	s31 =	simm.s32 $0x2;
	[sflag:s2] =	ssyncpa.u1 $0x1  }
0x3e: {  	[sflag:s31] =	ssyncpa.u1 $0x1  }
0x3f: {  	p0 =	sne.s32 s0, $0x0;
	_ =	strace $0x9000004A  }
0x40: {  	s0 =	sadd.s32 @!p0 $0x100000, s1;
	[bflag:$0x2] =	sbarrier.arrive $0xFFFF  }
0x41: {  	[sflag:s0] =	ssyncadd.tile.s32 @!p0 $0x1;
	_ =	shalt  }
.Lfunc_end1:
_tile_overlayer_lowered:
.L_overlay_start_2:
0x42: {  	(tag) =	ssettag $0x2  }
0x43: {  	s0 =	rddreg [dreg:$0x0];
	s2 =	stileid.u32  }
0x44: {  	s1 =	rddreg [dreg:$0x1];
	p0 =	sne.s32 s2, $0x0  }
0x45: {  	s3 =	rddreg [dreg:$0x2];
	[bflag:$0x3] =	sbarrier.arrive $0xFFFF;
	s2 =	simm.s32 @!p0 $0x1C01  }
0x46: {  	[timem:s3], [sflag:s2] =	dma.local @!p0 [hbm:s0], s1  }
0x47: {  	s0 =	simm.s32 @!p0 $0x1  }
0x48: {  	_ =	swait.ge @!p0 [sflag:s0], s1  }
0x49: {  	s1 =	ssub.s32 @!p0 $0x0, s1;
	[sflag:s0] =	ssyncset.done @!p0 $0x0  }
0x4a: {  	[sflag:s0] =	ssyncadd.s32 @!p0 s1  }
0x4b: {  	[bflag:$0x3] =	sbarrier.arrive $0xFFFF  }
0x4c: {  	_ =	shalt  }

</sc_bundles>
